<compile_context>
chip_gen: v7x
topology: tpu7x:2x2x1
jax: 0.10.2.dev20260603
libtpu: 0.0.44.dev20260713+nightly
codegen_flags: <defaults>
</compile_context>

<pallas_src>
import functools

import jax
import jax.numpy as jnp
from jax import lax
from jax.experimental import pallas as pl
from jax.experimental.pallas import tpu as pltpu
from jax.experimental.pallas import tpu_sc as plsc

B = 4096
L = 200
D = 300
DP = 384
DO = 304
LANES = 16
NCH = DO // LANES
NC = 2
NS = 16
NW = NC * NS
PPW = B // NW
OBLK = 16


def _body(idx_hbm, tab_hbm, tail_hbm, out_hbm, idx_v, rows_v, out_v, sem):
    wid = lax.axis_index("s") * NC + lax.axis_index("c")
    base = wid * PPW
    scale = jnp.float32(1.0 / L)
    zero = jnp.zeros((LANES,), jnp.float32)

    def per_post(p, carry):
        pltpu.sync_copy(idx_hbm.at[base + p], idx_v)
        c0 = pltpu.async_copy(tab_hbm.at[idx_v, pl.ds(0, 128)],
                              rows_v.at[:, pl.ds(0, 128)], sem)
        c1 = pltpu.async_copy(tab_hbm.at[idx_v, pl.ds(128, 128)],
                              rows_v.at[:, pl.ds(128, 128)], sem)
        c2 = pltpu.async_copy(tail_hbm.at[idx_v],
                              rows_v.at[:, pl.ds(256, 128)], sem)
        c0.wait()
        c1.wait()
        c2.wait()

        def per_row(t, accs):
            return tuple(accs[c] + rows_v[t, pl.ds(c * LANES, LANES)]
                         for c in range(NCH))

        accs = lax.fori_loop(0, L, per_row, (zero,) * NCH)
        pm = lax.rem(p, jnp.int32(OBLK))
        for c in range(NCH):
            out_v[pm, pl.ds(c * LANES, LANES)] = accs[c] * scale

        @pl.when(pm == OBLK - 1)
        def _():
            start = pl.multiple_of(base + p - (OBLK - 1), OBLK)
            pltpu.sync_copy(out_v, out_hbm.at[pl.ds(start, OBLK), :])

        return carry

    lax.fori_loop(0, PPW, per_post, 0)


PAD_BLK = 8000


def _tail_body(t_ref, o_ref):
    o_ref[...] = t_ref[...]


def _tail_table(table):
    v = table.shape[0]
    return pl.pallas_call(
        _tail_body,
        grid=(v // PAD_BLK,),
        in_specs=[pl.BlockSpec((PAD_BLK, 128), lambda i: (i, 2))],
        out_specs=pl.BlockSpec((PAD_BLK, 128), lambda i: (i, 0)),
        out_shape=jax.ShapeDtypeStruct((v, 128), jnp.float32),
    )(table)


@jax.jit
def _run(indices, table):
    tail = _tail_table(table)
    mesh = plsc.VectorSubcoreMesh(core_axis_name="c", subcore_axis_name="s")
    kern = functools.partial(
        pl.kernel,
        mesh=mesh,
        compiler_params=pltpu.CompilerParams(use_tc_tiling_on_sc=True,
                                             needs_layout_passes=False),
        out_type=jax.ShapeDtypeStruct((B, DO), jnp.float32),
        scratch_types=[
            pltpu.VMEM((L,), jnp.int32),
            pltpu.VMEM((L, DP), jnp.float32),
            pltpu.VMEM((OBLK, DO), jnp.float32),
            pltpu.SemaphoreType.DMA,
        ],
    )(_body)
    return kern(indices, table, tail)[:, :D]


def kernel(indices, table):
    return _run(indices, table)

# --- scband reference (transcript-rebuilt; emitter-appended) ---
"""Pipeline reference for scband-post-embedding-32049045962887 (READ-ONLY COPY).

The authoritative reference and input builder live on the scoring server;
editing this copy changes nothing except your own understanding.
"""

import jax, jax.numpy as jnp
import numpy as np

VOCAB = 1000000
EMBED_DIM = 300
BATCH = 4096
SEQ = 200

def setup_inputs(seed: int = 0) -> dict:
    key = jax.random.key(seed)
    k_idx, k_tab = jax.random.split(key)
    indices = jax.random.randint(k_idx, (BATCH, SEQ), 0, VOCAB, dtype=jnp.int64 if jax.config.jax_enable_x64 else jnp.int32).astype(jnp.int32)
    table = jax.random.normal(k_tab, (VOCAB, EMBED_DIM), dtype=jnp.float32) * 0.02
    return {"indices": indices, "table": table}

def reference(indices, table):
    # Faithful to PostEmbedding.to_glove_paragraph_embedding:
    #   word_embeddings = glove.get_vecs_by_tokens(tokens)  -> gather rows from the GloVe table
    #   return torch.sum(word_embeddings, dim=0) / len(tokens)  -> mean pooling over tokens
    # Batched over BATCH posts, each with SEQ preprocessed tokens.
    word_embeddings = jnp.take(table, indices, axis=0)  # [B, L, D] gather (embedding lookup)
    para_emb = jnp.sum(word_embeddings, axis=1) / word_embeddings.shape[1]  # [B, D]
    return para_emb

if __name__ == "__main__":
    import jax
    _d = setup_inputs()
    print(jax.jit(kernel)(*tuple(_d.values())))

</pallas_src>

<mosaic_0001>
#map = affine_map<(d0, d1) -> (0, 0)>
module attributes {stable_mosaic.version = 14 : i64} {
  func.func @_body(%arg0: i32, %arg1: i32, %arg2: memref<4096x200xi32, #tpu.memory_space<hbm>>, %arg3: memref<1000000x300xf32, #tpu.memory_space<hbm>>, %arg4: memref<1000000x128xf32, #tpu.memory_space<hbm>>, %arg5: memref<4096x304xf32, #tpu.memory_space<hbm>>, %arg6: memref<200xi32, #tpu.memory_space<vmem>>, %arg7: memref<200x384xf32, #tpu.memory_space<vmem>>, %arg8: memref<16x304xf32, #tpu.memory_space<vmem>>, %arg9: memref<!tpu.dma_semaphore, #tpu.memory_space<semaphore_mem>>) attributes {dimension_semantics = [#tpu.dimension_semantics<core_parallel>, #tpu.dimension_semantics<subcore_parallel>], iteration_bounds = array<i64: 2, 16>, scalar_prefetch = 0 : i64, scratch_operands = 4 : i64, tpu.core_type = #tpu.core_type<sc_vector_subcore>, window_params = [{transform_indices = #map}, {transform_indices = #map}, {transform_indices = #map}, {transform_indices = #map}]} {
    %mul3A = arith.constant 2 : i32
    %mul3A_0 = arith.muli %arg1, %mul3A : i32
    %add3A = arith.addi %mul3A_0, %arg0 : i32
    %mul3A_1 = arith.constant 128 : i32
    %mul3A_2 = arith.muli %add3A, %mul3A_1 : i32
    %broadcast_in_dim3A = arith.constant 0.000000e+00 : f32
    %broadcast_in_dim3A_3 = vector.broadcast %broadcast_in_dim3A : f32 to vector<16xf32>
    %scan3A = arith.constant 0 : i32
    %scan3A_4 = arith.constant 5.000000e-03 : f32
    %scan3A_5 = arith.constant 0 : i32
    %scan3A_6 = arith.constant 128 : i32
    %scan3A_7 = arith.addi %scan3A_5, %scan3A_6 : i32
    %scan3A_8 = arith.constant 1 : i32
    scf.for %scan3A_10 = %scan3A_5 to %scan3A_7 step %scan3A_8  : i32 {
      %add3A_11 = arith.addi %mul3A_2, %scan3A_10 : i32
      "tpu.region"() ({
        %run_scoped3A = tpu.sem_alloc : memref<!tpu.dma_semaphore, #tpu.memory_space<semaphore_mem>>
        %dma_start3A_149 = arith.constant 0 : i32
        %dma_start3A_150 = tpu.memref_slice %arg2[%add3A_11, %dma_start3A_149] : memref<4096x200xi32, #tpu.memory_space<hbm>> -> memref<1x200xi32, #tpu.memory_space<hbm>>
        %dma_start3A_151 = tpu.memref_squeeze %dma_start3A_150 : memref<1x200xi32, #tpu.memory_space<hbm>> -> memref<200xi32, #tpu.memory_space<hbm>>
        %dma_start3A_152 = arith.constant 0 : i32
        %dma_start3A_153 = tpu.memref_slice %arg2[%add3A_11, %dma_start3A_152] : memref<4096x200xi32, #tpu.memory_space<hbm>> -> memref<1x200xi32, #tpu.memory_space<hbm>>
        %dma_start3A_154 = tpu.memref_squeeze %dma_start3A_153 : memref<1x200xi32, #tpu.memory_space<hbm>> -> memref<200xi32, #tpu.memory_space<hbm>>
        tpu.enqueue_dma source(%dma_start3A_154 : memref<200xi32, #tpu.memory_space<hbm>>) target(%arg6 : memref<200xi32, #tpu.memory_space<vmem>>) target_semaphore(%run_scoped3A : memref<!tpu.dma_semaphore, #tpu.memory_space<semaphore_mem>>)
        %dma_wait3A_155 = arith.constant 0 : i32
        %dma_wait3A_156 = tpu.memref_slice %arg2[%add3A_11, %dma_wait3A_155] : memref<4096x200xi32, #tpu.memory_space<hbm>> -> memref<1x200xi32, #tpu.memory_space<hbm>>
        %dma_wait3A_157 = tpu.memref_squeeze %dma_wait3A_156 : memref<1x200xi32, #tpu.memory_space<hbm>> -> memref<200xi32, #tpu.memory_space<hbm>>
        %dma_wait3A_158 = arith.constant 0 : i32
        %dma_wait3A_159 = tpu.memref_slice %arg2[%add3A_11, %dma_wait3A_158] : memref<4096x200xi32, #tpu.memory_space<hbm>> -> memref<1x200xi32, #tpu.memory_space<hbm>>
        %dma_wait3A_160 = tpu.memref_squeeze %dma_wait3A_159 : memref<1x200xi32, #tpu.memory_space<hbm>> -> memref<200xi32, #tpu.memory_space<hbm>>
        tpu.wait_dma2 semaphore(%run_scoped3A : memref<!tpu.dma_semaphore, #tpu.memory_space<semaphore_mem>>) src(%dma_wait3A_160 : memref<200xi32, #tpu.memory_space<hbm>>) dst(%arg6 : memref<200xi32, #tpu.memory_space<vmem>>)
        tpu.yield
      }) : () -> ()
      %dma_start3A = arith.constant 0 : i32
      %dma_start3A_12 = arith.constant 0 : i32
      %dma_start3A_13 = tpu.memref_slice %arg7[%dma_start3A, %dma_start3A_12] : memref<200x384xf32, #tpu.memory_space<vmem>> -> memref<200x128xf32, #tpu.memory_space<vmem>>
      %dma_start3A_14 = arith.constant 0 : i32
      %dma_start3A_15 = arith.constant 0 : i32
      %dma_start3A_16 = tpu.memref_slice %arg3[%dma_start3A_14, %dma_start3A_15] : memref<1000000x300xf32, #tpu.memory_space<hbm>> -> memref<1000000x128xf32, #tpu.memory_space<hbm>>
      tpu.enqueue_indirect_dma source(%dma_start3A_16 : memref<1000000x128xf32, #tpu.memory_space<hbm>>) target(%dma_start3A_13 : memref<200x128xf32, #tpu.memory_space<vmem>>) offsets(%arg6 : memref<200xi32, #tpu.memory_space<vmem>>) semaphore(%arg9 : memref<!tpu.dma_semaphore, #tpu.memory_space<semaphore_mem>>)
      %dma_start3A_17 = arith.constant 0 : i32
      %dma_start3A_18 = arith.constant 128 : i32
      %dma_start3A_19 = tpu.memref_slice %arg7[%dma_start3A_17, %dma_start3A_18] : memref<200x384xf32, #tpu.memory_space<vmem>> -> memref<200x128xf32, #tpu.memory_space<vmem>>
      %dma_start3A_20 = arith.constant 0 : i32
      %dma_start3A_21 = arith.constant 128 : i32
      %dma_start3A_22 = tpu.memref_slice %arg3[%dma_start3A_20, %dma_start3A_21] : memref<1000000x300xf32, #tpu.memory_space<hbm>> -> memref<1000000x128xf32, #tpu.memory_space<hbm>>
      tpu.enqueue_indirect_dma source(%dma_start3A_22 : memref<1000000x128xf32, #tpu.memory_space<hbm>>) target(%dma_start3A_19 : memref<200x128xf32, #tpu.memory_space<vmem>>) offsets(%arg6 : memref<200xi32, #tpu.memory_space<vmem>>) semaphore(%arg9 : memref<!tpu.dma_semaphore, #tpu.memory_space<semaphore_mem>>)
      %dma_start3A_23 = arith.constant 0 : i32
      %dma_start3A_24 = arith.constant 256 : i32
      %dma_start3A_25 = tpu.memref_slice %arg7[%dma_start3A_23, %dma_start3A_24] : memref<200x384xf32, #tpu.memory_space<vmem>> -> memref<200x128xf32, #tpu.memory_space<vmem>>
      %dma_start3A_26 = arith.constant 0 : i32
      %dma_start3A_27 = arith.constant 0 : i32
      %dma_start3A_28 = tpu.memref_slice %arg4[%dma_start3A_26, %dma_start3A_27] : memref<1000000x128xf32, #tpu.memory_space<hbm>> -> memref<1000000x128xf32, #tpu.memory_space<hbm>>
      tpu.enqueue_indirect_dma source(%dma_start3A_28 : memref<1000000x128xf32, #tpu.memory_space<hbm>>) target(%dma_start3A_25 : memref<200x128xf32, #tpu.memory_space<vmem>>) offsets(%arg6 : memref<200xi32, #tpu.memory_space<vmem>>) semaphore(%arg9 : memref<!tpu.dma_semaphore, #tpu.memory_space<semaphore_mem>>)
      %dma_wait3A = arith.constant 0 : i32
      %dma_wait3A_29 = arith.constant 0 : i32
      %dma_wait3A_30 = tpu.memref_slice %arg7[%dma_wait3A, %dma_wait3A_29] : memref<200x384xf32, #tpu.memory_space<vmem>> -> memref<200x128xf32, #tpu.memory_space<vmem>>
      %dma_wait3A_31 = arith.constant 0 : i32
      %dma_wait3A_32 = arith.constant 0 : i32
      %dma_wait3A_33 = tpu.memref_slice %arg3[%dma_wait3A_31, %dma_wait3A_32] : memref<1000000x300xf32, #tpu.memory_space<hbm>> -> memref<1000000x128xf32, #tpu.memory_space<hbm>>
      tpu.wait_indirect_dma semaphore(%arg9 : memref<!tpu.dma_semaphore, #tpu.memory_space<semaphore_mem>>) src(%dma_wait3A_33 : memref<1000000x128xf32, #tpu.memory_space<hbm>>) dst(%dma_wait3A_30 : memref<200x128xf32, #tpu.memory_space<vmem>>)
      %dma_wait3A_34 = arith.constant 0 : i32
      %dma_wait3A_35 = arith.constant 128 : i32
      %dma_wait3A_36 = tpu.memref_slice %arg7[%dma_wait3A_34, %dma_wait3A_35] : memref<200x384xf32, #tpu.memory_space<vmem>> -> memref<200x128xf32, #tpu.memory_space<vmem>>
      %dma_wait3A_37 = arith.constant 0 : i32
      %dma_wait3A_38 = arith.constant 128 : i32
      %dma_wait3A_39 = tpu.memref_slice %arg3[%dma_wait3A_37, %dma_wait3A_38] : memref<1000000x300xf32, #tpu.memory_space<hbm>> -> memref<1000000x128xf32, #tpu.memory_space<hbm>>
      tpu.wait_indirect_dma semaphore(%arg9 : memref<!tpu.dma_semaphore, #tpu.memory_space<semaphore_mem>>) src(%dma_wait3A_39 : memref<1000000x128xf32, #tpu.memory_space<hbm>>) dst(%dma_wait3A_36 : memref<200x128xf32, #tpu.memory_space<vmem>>)
      %dma_wait3A_40 = arith.constant 0 : i32
      %dma_wait3A_41 = arith.constant 256 : i32
      %dma_wait3A_42 = tpu.memref_slice %arg7[%dma_wait3A_40, %dma_wait3A_41] : memref<200x384xf32, #tpu.memory_space<vmem>> -> memref<200x128xf32, #tpu.memory_space<vmem>>
      %dma_wait3A_43 = arith.constant 0 : i32
      %dma_wait3A_44 = arith.constant 0 : i32
      %dma_wait3A_45 = tpu.memref_slice %arg4[%dma_wait3A_43, %dma_wait3A_44] : memref<1000000x128xf32, #tpu.memory_space<hbm>> -> memref<1000000x128xf32, #tpu.memory_space<hbm>>
      tpu.wait_indirect_dma semaphore(%arg9 : memref<!tpu.dma_semaphore, #tpu.memory_space<semaphore_mem>>) src(%dma_wait3A_45 : memref<1000000x128xf32, #tpu.memory_space<hbm>>) dst(%dma_wait3A_42 : memref<200x128xf32, #tpu.memory_space<vmem>>)
      %scan3A_46 = arith.constant 0 : i32
      %scan3A_47 = arith.constant 200 : i32
      %scan3A_48 = arith.addi %scan3A_46, %scan3A_47 : i32
      %scan3A_49 = arith.constant 1 : i32
      %scan3A_50:19 = scf.for %scan3A_149 = %scan3A_46 to %scan3A_48 step %scan3A_49 iter_args(%scan3A_150 = %broadcast_in_dim3A_3, %scan3A_151 = %broadcast_in_dim3A_3, %scan3A_152 = %broadcast_in_dim3A_3, %scan3A_153 = %broadcast_in_dim3A_3, %scan3A_154 = %broadcast_in_dim3A_3, %scan3A_155 = %broadcast_in_dim3A_3, %scan3A_156 = %broadcast_in_dim3A_3, %scan3A_157 = %broadcast_in_dim3A_3, %scan3A_158 = %broadcast_in_dim3A_3, %scan3A_159 = %broadcast_in_dim3A_3, %scan3A_160 = %broadcast_in_dim3A_3, %scan3A_161 = %broadcast_in_dim3A_3, %scan3A_162 = %broadcast_in_dim3A_3, %scan3A_163 = %broadcast_in_dim3A_3, %scan3A_164 = %broadcast_in_dim3A_3, %scan3A_165 = %broadcast_in_dim3A_3, %scan3A_166 = %broadcast_in_dim3A_3, %scan3A_167 = %broadcast_in_dim3A_3, %scan3A_168 = %broadcast_in_dim3A_3) -> (vector<16xf32>, vector<16xf32>, vector<16xf32>, vector<16xf32>, vector<16xf32>, vector<16xf32>, vector<16xf32>, vector<16xf32>, vector<16xf32>, vector<16xf32>, vector<16xf32>, vector<16xf32>, vector<16xf32>, vector<16xf32>, vector<16xf32>, vector<16xf32>, vector<16xf32>, vector<16xf32>, vector<16xf32>)  : i32 {
        %get3A = arith.index_cast %scan3A_149 : i32 to index
        %get3A_169 = arith.constant 0 : index
        %get3A_170 = tpu.vector_load %arg7[%get3A, %get3A_169] {strides = array<i32>} : memref<200x384xf32, #tpu.memory_space<vmem>>, vector<16xf32>,
        %add3A_171 = arith.addf %scan3A_150, %get3A_170 : vector<16xf32>
        %get3A_172 = arith.index_cast %scan3A_149 : i32 to index
        %get3A_173 = arith.constant 16 : index
        %get3A_174 = tpu.vector_load %arg7[%get3A_172, %get3A_173] {strides = array<i32>} : memref<200x384xf32, #tpu.memory_space<vmem>>, vector<16xf32>,
        %add3A_175 = arith.addf %scan3A_151, %get3A_174 : vector<16xf32>
        %get3A_176 = arith.index_cast %scan3A_149 : i32 to index
        %get3A_177 = arith.constant 32 : index
        %get3A_178 = tpu.vector_load %arg7[%get3A_176, %get3A_177] {strides = array<i32>} : memref<200x384xf32, #tpu.memory_space<vmem>>, vector<16xf32>,
        %add3A_179 = arith.addf %scan3A_152, %get3A_178 : vector<16xf32>
        %get3A_180 = arith.index_cast %scan3A_149 : i32 to index
        %get3A_181 = arith.constant 48 : index
        %get3A_182 = tpu.vector_load %arg7[%get3A_180, %get3A_181] {strides = array<i32>} : memref<200x384xf32, #tpu.memory_space<vmem>>, vector<16xf32>,
        %add3A_183 = arith.addf %scan3A_153, %get3A_182 : vector<16xf32>
        %get3A_184 = arith.index_cast %scan3A_149 : i32 to index
        %get3A_185 = arith.constant 64 : index
        %get3A_186 = tpu.vector_load %arg7[%get3A_184, %get3A_185] {strides = array<i32>} : memref<200x384xf32, #tpu.memory_space<vmem>>, vector<16xf32>,
        %add3A_187 = arith.addf %scan3A_154, %get3A_186 : vector<16xf32>
        %get3A_188 = arith.index_cast %scan3A_149 : i32 to index
        %get3A_189 = arith.constant 80 : index
        %get3A_190 = tpu.vector_load %arg7[%get3A_188, %get3A_189] {strides = array<i32>} : memref<200x384xf32, #tpu.memory_space<vmem>>, vector<16xf32>,
        %add3A_191 = arith.addf %scan3A_155, %get3A_190 : vector<16xf32>
        %get3A_192 = arith.index_cast %scan3A_149 : i32 to index
        %get3A_193 = arith.constant 96 : index
        %get3A_194 = tpu.vector_load %arg7[%get3A_192, %get3A_193] {strides = array<i32>} : memref<200x384xf32, #tpu.memory_space<vmem>>, vector<16xf32>,
        %add3A_195 = arith.addf %scan3A_156, %get3A_194 : vector<16xf32>
        %get3A_196 = arith.index_cast %scan3A_149 : i32 to index
        %get3A_197 = arith.constant 112 : index
        %get3A_198 = tpu.vector_load %arg7[%get3A_196, %get3A_197] {strides = array<i32>} : memref<200x384xf32, #tpu.memory_space<vmem>>, vector<16xf32>,
        %add3A_199 = arith.addf %scan3A_157, %get3A_198 : vector<16xf32>
        %get3A_200 = arith.index_cast %scan3A_149 : i32 to index
        %get3A_201 = arith.constant 128 : index
        %get3A_202 = tpu.vector_load %arg7[%get3A_200, %get3A_201] {strides = array<i32>} : memref<200x384xf32, #tpu.memory_space<vmem>>, vector<16xf32>,
        %add3A_203 = arith.addf %scan3A_158, %get3A_202 : vector<16xf32>
        %get3A_204 = arith.index_cast %scan3A_149 : i32 to index
        %get3A_205 = arith.constant 144 : index
        %get3A_206 = tpu.vector_load %arg7[%get3A_204, %get3A_205] {strides = array<i32>} : memref<200x384xf32, #tpu.memory_space<vmem>>, vector<16xf32>,
        %add3A_207 = arith.addf %scan3A_159, %get3A_206 : vector<16xf32>
        %get3A_208 = arith.index_cast %scan3A_149 : i32 to index
        %get3A_209 = arith.constant 160 : index
        %get3A_210 = tpu.vector_load %arg7[%get3A_208, %get3A_209] {strides = array<i32>} : memref<200x384xf32, #tpu.memory_space<vmem>>, vector<16xf32>,
        %add3A_211 = arith.addf %scan3A_160, %get3A_210 : vector<16xf32>
        %get3A_212 = arith.index_cast %scan3A_149 : i32 to index
        %get3A_213 = arith.constant 176 : index
        %get3A_214 = tpu.vector_load %arg7[%get3A_212, %get3A_213] {strides = array<i32>} : memref<200x384xf32, #tpu.memory_space<vmem>>, vector<16xf32>,
        %add3A_215 = arith.addf %scan3A_161, %get3A_214 : vector<16xf32>
        %get3A_216 = arith.index_cast %scan3A_149 : i32 to index
        %get3A_217 = arith.constant 192 : index
        %get3A_218 = tpu.vector_load %arg7[%get3A_216, %get3A_217] {strides = array<i32>} : memref<200x384xf32, #tpu.memory_space<vmem>>, vector<16xf32>,
        %add3A_219 = arith.addf %scan3A_162, %get3A_218 : vector<16xf32>
        %get3A_220 = arith.index_cast %scan3A_149 : i32 to index
        %get3A_221 = arith.constant 208 : index
        %get3A_222 = tpu.vector_load %arg7[%get3A_220, %get3A_221] {strides = array<i32>} : memref<200x384xf32, #tpu.memory_space<vmem>>, vector<16xf32>,
        %add3A_223 = arith.addf %scan3A_163, %get3A_222 : vector<16xf32>
        %get3A_224 = arith.index_cast %scan3A_149 : i32 to index
        %get3A_225 = arith.constant 224 : index
        %get3A_226 = tpu.vector_load %arg7[%get3A_224, %get3A_225] {strides = array<i32>} : memref<200x384xf32, #tpu.memory_space<vmem>>, vector<16xf32>,
        %add3A_227 = arith.addf %scan3A_164, %get3A_226 : vector<16xf32>
        %get3A_228 = arith.index_cast %scan3A_149 : i32 to index
        %get3A_229 = arith.constant 240 : index
        %get3A_230 = tpu.vector_load %arg7[%get3A_228, %get3A_229] {strides = array<i32>} : memref<200x384xf32, #tpu.memory_space<vmem>>, vector<16xf32>,
        %add3A_231 = arith.addf %scan3A_165, %get3A_230 : vector<16xf32>
        %get3A_232 = arith.index_cast %scan3A_149 : i32 to index
        %get3A_233 = arith.constant 256 : index
        %get3A_234 = tpu.vector_load %arg7[%get3A_232, %get3A_233] {strides = array<i32>} : memref<200x384xf32, #tpu.memory_space<vmem>>, vector<16xf32>,
        %add3A_235 = arith.addf %scan3A_166, %get3A_234 : vector<16xf32>
        %get3A_236 = arith.index_cast %scan3A_149 : i32 to index
        %get3A_237 = arith.constant 272 : index
        %get3A_238 = tpu.vector_load %arg7[%get3A_236, %get3A_237] {strides = array<i32>} : memref<200x384xf32, #tpu.memory_space<vmem>>, vector<16xf32>,
        %add3A_239 = arith.addf %scan3A_167, %get3A_238 : vector<16xf32>
        %get3A_240 = arith.index_cast %scan3A_149 : i32 to index
        %get3A_241 = arith.constant 288 : index
        %get3A_242 = tpu.vector_load %arg7[%get3A_240, %get3A_241] {strides = array<i32>} : memref<200x384xf32, #tpu.memory_space<vmem>>, vector<16xf32>,
        %add3A_243 = arith.addf %scan3A_168, %get3A_242 : vector<16xf32>
        scf.yield %add3A_171, %add3A_175, %add3A_179, %add3A_183, %add3A_187, %add3A_191, %add3A_195, %add3A_199, %add3A_203, %add3A_207, %add3A_211, %add3A_215, %add3A_219, %add3A_223, %add3A_227, %add3A_231, %add3A_235, %add3A_239, %add3A_243 : vector<16xf32>, vector<16xf32>, vector<16xf32>, vector<16xf32>, vector<16xf32>, vector<16xf32>, vector<16xf32>, vector<16xf32>, vector<16xf32>, vector<16xf32>, vector<16xf32>, vector<16xf32>, vector<16xf32>, vector<16xf32>, vector<16xf32>, vector<16xf32>, vector<16xf32>, vector<16xf32>, vector<16xf32>
      }
      %scan3A_51 = arith.constant 200 : i32
      %rem3A = arith.constant 16 : i32
      %rem3A_52 = arith.remsi %scan3A_10, %rem3A : i32
      %mul3A_53 = vector.broadcast %scan3A_4 : f32 to vector<16xf32>
      %mul3A_54 = arith.mulf %scan3A_50#0, %mul3A_53 : vector<16xf32>
      %swap3A = arith.index_cast %rem3A_52 : i32 to index
      %swap3A_55 = arith.constant 0 : index
      %swap3A_56 = tpu.vector_load %arg8[%swap3A, %swap3A_55] {strides = array<i32>} : memref<16x304xf32, #tpu.memory_space<vmem>>, vector<16xf32>,
      tpu.vector_store %arg8[%swap3A, %swap3A_55], %mul3A_54 {strides = array<i32>} : memref<16x304xf32, #tpu.memory_space<vmem>>, vector<16xf32>,
      %mul3A_57 = vector.broadcast %scan3A_4 : f32 to vector<16xf32>
      %mul3A_58 = arith.mulf %scan3A_50#1, %mul3A_57 : vector<16xf32>
      %swap3A_59 = arith.index_cast %rem3A_52 : i32 to index
      %swap3A_60 = arith.constant 16 : index
      %swap3A_61 = tpu.vector_load %arg8[%swap3A_59, %swap3A_60] {strides = array<i32>} : memref<16x304xf32, #tpu.memory_space<vmem>>, vector<16xf32>,
      tpu.vector_store %arg8[%swap3A_59, %swap3A_60], %mul3A_58 {strides = array<i32>} : memref<16x304xf32, #tpu.memory_space<vmem>>, vector<16xf32>,
      %mul3A_62 = vector.broadcast %scan3A_4 : f32 to vector<16xf32>
      %mul3A_63 = arith.mulf %scan3A_50#2, %mul3A_62 : vector<16xf32>
      %swap3A_64 = arith.index_cast %rem3A_52 : i32 to index
      %swap3A_65 = arith.constant 32 : index
      %swap3A_66 = tpu.vector_load %arg8[%swap3A_64, %swap3A_65] {strides = array<i32>} : memref<16x304xf32, #tpu.memory_space<vmem>>, vector<16xf32>,
      tpu.vector_store %arg8[%swap3A_64, %swap3A_65], %mul3A_63 {strides = array<i32>} : memref<16x304xf32, #tpu.memory_space<vmem>>, vector<16xf32>,
      %mul3A_67 = vector.broadcast %scan3A_4 : f32 to vector<16xf32>
      %mul3A_68 = arith.mulf %scan3A_50#3, %mul3A_67 : vector<16xf32>
      %swap3A_69 = arith.index_cast %rem3A_52 : i32 to index
      %swap3A_70 = arith.constant 48 : index
      %swap3A_71 = tpu.vector_load %arg8[%swap3A_69, %swap3A_70] {strides = array<i32>} : memref<16x304xf32, #tpu.memory_space<vmem>>, vector<16xf32>,
      tpu.vector_store %arg8[%swap3A_69, %swap3A_70], %mul3A_68 {strides = array<i32>} : memref<16x304xf32, #tpu.memory_space<vmem>>, vector<16xf32>,
      %mul3A_72 = vector.broadcast %scan3A_4 : f32 to vector<16xf32>
      %mul3A_73 = arith.mulf %scan3A_50#4, %mul3A_72 : vector<16xf32>
      %swap3A_74 = arith.index_cast %rem3A_52 : i32 to index
      %swap3A_75 = arith.constant 64 : index
      %swap3A_76 = tpu.vector_load %arg8[%swap3A_74, %swap3A_75] {strides = array<i32>} : memref<16x304xf32, #tpu.memory_space<vmem>>, vector<16xf32>,
      tpu.vector_store %arg8[%swap3A_74, %swap3A_75], %mul3A_73 {strides = array<i32>} : memref<16x304xf32, #tpu.memory_space<vmem>>, vector<16xf32>,
      %mul3A_77 = vector.broadcast %scan3A_4 : f32 to vector<16xf32>
      %mul3A_78 = arith.mulf %scan3A_50#5, %mul3A_77 : vector<16xf32>
      %swap3A_79 = arith.index_cast %rem3A_52 : i32 to index
      %swap3A_80 = arith.constant 80 : index
      %swap3A_81 = tpu.vector_load %arg8[%swap3A_79, %swap3A_80] {strides = array<i32>} : memref<16x304xf32, #tpu.memory_space<vmem>>, vector<16xf32>,
      tpu.vector_store %arg8[%swap3A_79, %swap3A_80], %mul3A_78 {strides = array<i32>} : memref<16x304xf32, #tpu.memory_space<vmem>>, vector<16xf32>,
      %mul3A_82 = vector.broadcast %scan3A_4 : f32 to vector<16xf32>
      %mul3A_83 = arith.mulf %scan3A_50#6, %mul3A_82 : vector<16xf32>
      %swap3A_84 = arith.index_cast %rem3A_52 : i32 to index
      %swap3A_85 = arith.constant 96 : index
      %swap3A_86 = tpu.vector_load %arg8[%swap3A_84, %swap3A_85] {strides = array<i32>} : memref<16x304xf32, #tpu.memory_space<vmem>>, vector<16xf32>,
      tpu.vector_store %arg8[%swap3A_84, %swap3A_85], %mul3A_83 {strides = array<i32>} : memref<16x304xf32, #tpu.memory_space<vmem>>, vector<16xf32>,
      %mul3A_87 = vector.broadcast %scan3A_4 : f32 to vector<16xf32>
      %mul3A_88 = arith.mulf %scan3A_50#7, %mul3A_87 : vector<16xf32>
      %swap3A_89 = arith.index_cast %rem3A_52 : i32 to index
      %swap3A_90 = arith.constant 112 : index
      %swap3A_91 = tpu.vector_load %arg8[%swap3A_89, %swap3A_90] {strides = array<i32>} : memref<16x304xf32, #tpu.memory_space<vmem>>, vector<16xf32>,
      tpu.vector_store %arg8[%swap3A_89, %swap3A_90], %mul3A_88 {strides = array<i32>} : memref<16x304xf32, #tpu.memory_space<vmem>>, vector<16xf32>,
      %mul3A_92 = vector.broadcast %scan3A_4 : f32 to vector<16xf32>
      %mul3A_93 = arith.mulf %scan3A_50#8, %mul3A_92 : vector<16xf32>
      %swap3A_94 = arith.index_cast %rem3A_52 : i32 to index
      %swap3A_95 = arith.constant 128 : index
      %swap3A_96 = tpu.vector_load %arg8[%swap3A_94, %swap3A_95] {strides = array<i32>} : memref<16x304xf32, #tpu.memory_space<vmem>>, vector<16xf32>,
      tpu.vector_store %arg8[%swap3A_94, %swap3A_95], %mul3A_93 {strides = array<i32>} : memref<16x304xf32, #tpu.memory_space<vmem>>, vector<16xf32>,
      %mul3A_97 = vector.broadcast %scan3A_4 : f32 to vector<16xf32>
      %mul3A_98 = arith.mulf %scan3A_50#9, %mul3A_97 : vector<16xf32>
      %swap3A_99 = arith.index_cast %rem3A_52 : i32 to index
      %swap3A_100 = arith.constant 144 : index
      %swap3A_101 = tpu.vector_load %arg8[%swap3A_99, %swap3A_100] {strides = array<i32>} : memref<16x304xf32, #tpu.memory_space<vmem>>, vector<16xf32>,
      tpu.vector_store %arg8[%swap3A_99, %swap3A_100], %mul3A_98 {strides = array<i32>} : memref<16x304xf32, #tpu.memory_space<vmem>>, vector<16xf32>,
      %mul3A_102 = vector.broadcast %scan3A_4 : f32 to vector<16xf32>
      %mul3A_103 = arith.mulf %scan3A_50#10, %mul3A_102 : vector<16xf32>
      %swap3A_104 = arith.index_cast %rem3A_52 : i32 to index
      %swap3A_105 = arith.constant 160 : index
      %swap3A_106 = tpu.vector_load %arg8[%swap3A_104, %swap3A_105] {strides = array<i32>} : memref<16x304xf32, #tpu.memory_space<vmem>>, vector<16xf32>,
      tpu.vector_store %arg8[%swap3A_104, %swap3A_105], %mul3A_103 {strides = array<i32>} : memref<16x304xf32, #tpu.memory_space<vmem>>, vector<16xf32>,
      %mul3A_107 = vector.broadcast %scan3A_4 : f32 to vector<16xf32>
      %mul3A_108 = arith.mulf %scan3A_50#11, %mul3A_107 : vector<16xf32>
      %swap3A_109 = arith.index_cast %rem3A_52 : i32 to index
      %swap3A_110 = arith.constant 176 : index
      %swap3A_111 = tpu.vector_load %arg8[%swap3A_109, %swap3A_110] {strides = array<i32>} : memref<16x304xf32, #tpu.memory_space<vmem>>, vector<16xf32>,
      tpu.vector_store %arg8[%swap3A_109, %swap3A_110], %mul3A_108 {strides = array<i32>} : memref<16x304xf32, #tpu.memory_space<vmem>>, vector<16xf32>,
      %mul3A_112 = vector.broadcast %scan3A_4 : f32 to vector<16xf32>
      %mul3A_113 = arith.mulf %scan3A_50#12, %mul3A_112 : vector<16xf32>
      %swap3A_114 = arith.index_cast %rem3A_52 : i32 to index
      %swap3A_115 = arith.constant 192 : index
      %swap3A_116 = tpu.vector_load %arg8[%swap3A_114, %swap3A_115] {strides = array<i32>} : memref<16x304xf32, #tpu.memory_space<vmem>>, vector<16xf32>,
      tpu.vector_store %arg8[%swap3A_114, %swap3A_115], %mul3A_113 {strides = array<i32>} : memref<16x304xf32, #tpu.memory_space<vmem>>, vector<16xf32>,
      %mul3A_117 = vector.broadcast %scan3A_4 : f32 to vector<16xf32>
      %mul3A_118 = arith.mulf %scan3A_50#13, %mul3A_117 : vector<16xf32>
      %swap3A_119 = arith.index_cast %rem3A_52 : i32 to index
      %swap3A_120 = arith.constant 208 : index
      %swap3A_121 = tpu.vector_load %arg8[%swap3A_119, %swap3A_120] {strides = array<i32>} : memref<16x304xf32, #tpu.memory_space<vmem>>, vector<16xf32>,
      tpu.vector_store %arg8[%swap3A_119, %swap3A_120], %mul3A_118 {strides = array<i32>} : memref<16x304xf32, #tpu.memory_space<vmem>>, vector<16xf32>,
      %mul3A_122 = vector.broadcast %scan3A_4 : f32 to vector<16xf32>
      %mul3A_123 = arith.mulf %scan3A_50#14, %mul3A_122 : vector<16xf32>
      %swap3A_124 = arith.index_cast %rem3A_52 : i32 to index
      %swap3A_125 = arith.constant 224 : index
      %swap3A_126 = tpu.vector_load %arg8[%swap3A_124, %swap3A_125] {strides = array<i32>} : memref<16x304xf32, #tpu.memory_space<vmem>>, vector<16xf32>,
      tpu.vector_store %arg8[%swap3A_124, %swap3A_125], %mul3A_123 {strides = array<i32>} : memref<16x304xf32, #tpu.memory_space<vmem>>, vector<16xf32>,
      %mul3A_127 = vector.broadcast %scan3A_4 : f32 to vector<16xf32>
      %mul3A_128 = arith.mulf %scan3A_50#15, %mul3A_127 : vector<16xf32>
      %swap3A_129 = arith.index_cast %rem3A_52 : i32 to index
      %swap3A_130 = arith.constant 240 : index
      %swap3A_131 = tpu.vector_load %arg8[%swap3A_129, %swap3A_130] {strides = array<i32>} : memref<16x304xf32, #tpu.memory_space<vmem>>, vector<16xf32>,
      tpu.vector_store %arg8[%swap3A_129, %swap3A_130], %mul3A_128 {strides = array<i32>} : memref<16x304xf32, #tpu.memory_space<vmem>>, vector<16xf32>,
      %mul3A_132 = vector.broadcast %scan3A_4 : f32 to vector<16xf32>
      %mul3A_133 = arith.mulf %scan3A_50#16, %mul3A_132 : vector<16xf32>
      %swap3A_134 = arith.index_cast %rem3A_52 : i32 to index
      %swap3A_135 = arith.constant 256 : index
      %swap3A_136 = tpu.vector_load %arg8[%swap3A_134, %swap3A_135] {strides = array<i32>} : memref<16x304xf32, #tpu.memory_space<vmem>>, vector<16xf32>,
      tpu.vector_store %arg8[%swap3A_134, %swap3A_135], %mul3A_133 {strides = array<i32>} : memref<16x304xf32, #tpu.memory_space<vmem>>, vector<16xf32>,
      %mul3A_137 = vector.broadcast %scan3A_4 : f32 to vector<16xf32>
      %mul3A_138 = arith.mulf %scan3A_50#17, %mul3A_137 : vector<16xf32>
      %swap3A_139 = arith.index_cast %rem3A_52 : i32 to index
      %swap3A_140 = arith.constant 272 : index
      %swap3A_141 = tpu.vector_load %arg8[%swap3A_139, %swap3A_140] {strides = array<i32>} : memref<16x304xf32, #tpu.memory_space<vmem>>, vector<16xf32>,
      tpu.vector_store %arg8[%swap3A_139, %swap3A_140], %mul3A_138 {strides = array<i32>} : memref<16x304xf32, #tpu.memory_space<vmem>>, vector<16xf32>,
      %mul3A_142 = vector.broadcast %scan3A_4 : f32 to vector<16xf32>
      %mul3A_143 = arith.mulf %scan3A_50#18, %mul3A_142 : vector<16xf32>
      %swap3A_144 = arith.index_cast %rem3A_52 : i32 to index
      %swap3A_145 = arith.constant 288 : index
      %swap3A_146 = tpu.vector_load %arg8[%swap3A_144, %swap3A_145] {strides = array<i32>} : memref<16x304xf32, #tpu.memory_space<vmem>>, vector<16xf32>,
      tpu.vector_store %arg8[%swap3A_144, %swap3A_145], %mul3A_143 {strides = array<i32>} : memref<16x304xf32, #tpu.memory_space<vmem>>, vector<16xf32>,
      %eq3A = arith.constant 15 : i32
      %eq3A_147 = arith.cmpi eq, %rem3A_52, %eq3A : i32
      %convert_element_type3A = arith.extui %eq3A_147 : i1 to i32
      %cond3A = arith.constant 0 : i32
      %cond3A_148 = arith.cmpi ne, %convert_element_type3A, %cond3A : i32
      scf.if %cond3A_148 {
        %add3A_149 = arith.addi %mul3A_2, %scan3A_10 : i32
        %sub3A = arith.constant 15 : i32
        %sub3A_150 = arith.subi %add3A_149, %sub3A : i32
        %multiple_of3A = tpu.assume_multiple %sub3A_150, 16 : i32
        "tpu.region"() ({
          %run_scoped3A = tpu.sem_alloc : memref<!tpu.dma_semaphore, #tpu.memory_space<semaphore_mem>>
          %dma_start3A_151 = arith.constant 0 : i32
          %dma_start3A_152 = tpu.memref_slice %arg5[%multiple_of3A, %dma_start3A_151] : memref<4096x304xf32, #tpu.memory_space<hbm>> -> memref<16x304xf32, #tpu.memory_space<hbm>>
          %dma_start3A_153 = arith.constant 0 : i32
          %dma_start3A_154 = tpu.memref_slice %arg5[%multiple_of3A, %dma_start3A_153] : memref<4096x304xf32, #tpu.memory_space<hbm>> -> memref<16x304xf32, #tpu.memory_space<hbm>>
          tpu.enqueue_dma source(%arg8 : memref<16x304xf32, #tpu.memory_space<vmem>>) target(%dma_start3A_154 : memref<16x304xf32, #tpu.memory_space<hbm>>) target_semaphore(%run_scoped3A : memref<!tpu.dma_semaphore, #tpu.memory_space<semaphore_mem>>)
          %dma_wait3A_155 = arith.constant 0 : i32
          %dma_wait3A_156 = tpu.memref_slice %arg5[%multiple_of3A, %dma_wait3A_155] : memref<4096x304xf32, #tpu.memory_space<hbm>> -> memref<16x304xf32, #tpu.memory_space<hbm>>
          %dma_wait3A_157 = arith.constant 0 : i32
          %dma_wait3A_158 = tpu.memref_slice %arg5[%multiple_of3A, %dma_wait3A_157] : memref<4096x304xf32, #tpu.memory_space<hbm>> -> memref<16x304xf32, #tpu.memory_space<hbm>>
          tpu.wait_dma2 semaphore(%run_scoped3A : memref<!tpu.dma_semaphore, #tpu.memory_space<semaphore_mem>>) src(%arg8 : memref<16x304xf32, #tpu.memory_space<vmem>>) dst(%dma_wait3A_158 : memref<16x304xf32, #tpu.memory_space<hbm>>)
          tpu.yield
        }) : () -> ()
      } else {
      }
    }
    %scan3A_9 = arith.constant 128 : i32
    return
  }
}

module attributes {stable_mosaic.version = 14 : i64} {
  func.func @_tail_body(%arg0: i32, %arg1: memref<8000x128xf32, #tpu.memory_space<vmem>>, %arg2: memref<8000x128xf32, #tpu.memory_space<vmem>>) attributes {dimension_semantics = [#tpu.dimension_semantics<arbitrary>], iteration_bounds = array<i64: 125>, scalar_prefetch = 0 : i64, scratch_operands = 0 : i64, tpu.core_type = #tpu.core_type<tc>, window_params = [{transform_indices = @transform_0, window_bounds = array<i64: 8000, 128>}, {transform_indices = @transform_1, window_bounds = array<i64: 8000, 128>}]} {
    %get3A = arith.constant 0 : index
    %get3A_0 = arith.constant 0 : index
    %get3A_1 = vector.load %arg1[%get3A, %get3A_0] : memref<8000x128xf32, #tpu.memory_space<vmem>>, vector<8000x128xf32>
    %swap3A = arith.constant 0 : index
    %swap3A_2 = arith.constant 0 : index
    %swap3A_3 = vector.load %arg2[%swap3A, %swap3A_2] : memref<8000x128xf32, #tpu.memory_space<vmem>>, vector<8000x128xf32>
    tpu.vector_store %arg2[%swap3A, %swap3A_2], %get3A_1 {strides = array<i32>} : memref<8000x128xf32, #tpu.memory_space<vmem>>, vector<8000x128xf32>,
    return
  }
  func.func @transform_0(%arg0: i32) -> (i32, i32) {
    %c2_i32 = arith.constant 2 : i32
    %c0_i32 = arith.constant 0 : i32
    return %arg0, %c2_i32 : i32, i32
  }
  func.func @transform_1(%arg0: i32) -> (i32, i32) {
    %c0_i32 = arith.constant 0 : i32
    %c0_i32_0 = arith.constant 0 : i32
    return %arg0, %c0_i32 : i32, i32
  }
}

</mosaic_0001>

<sc_bundles>
// kernel: _run.4.cloned.1.call-start
scs
__scs_entry_jumppad:
0x0: {  	(pc) =	sbr.rel $0x88, $3  }
0x1: {  	(tag) =	ssettag $0x0;
	lr =	simm.s32 $0x1  }
0x2: {  	[smem:$0x3F9F] =	sst lr;
	_ =	strace $0xD0000000  }
0x3: {  	_ = 	snop  }
0x4: {  	_ = 	snop  }
0x5: {  	_ = 	snop  }
0x6: {  	_ = 	snop  }
0x7: {  	_ = 	snop  }
__scs_overlays_trampoline_lowered:
0x8: {  	[smem:$0x3FAE] =	sst s0  }
0x9: {  	[smem:$0x3FAF] =	sst s1  }
0xa: {  	[smem:$0x3FB0] =	sst s2  }
0xb: {  	[smem:$0x3FB1] =	sst s3  }
0xc: {  	[smem:$0x3FB2] =	sst s4  }
0xd: {  	[smem:$0x3FB3] =	sst s5  }
0xe: {  	[smem:$0x3FB4] =	sst s6  }
0xf: {  	[smem:$0x3FB5] =	sst s7  }
0x10: {  	[smem:$0x3FB6] =	sst s8  }
0x11: {  	[smem:$0x3FB7] =	sst s9;
	s0 =	simm.s32 @!p0 $0x0  }
0x12: {  	s1 =	sld [smem:$0x3F9D];
	s0 =	simm.s32 @p0 $0x1  }
0x13: {  	[smem:$0x3FB8] =	sst s0;
	s0 =	simm.s32 @!p1 $0x0  }
0x14: {  	s2 =	sld [smem:$0x3F9C];
	s0 =	simm.s32 @p1 $0x1  }
0x15: {  	[smem:$0x3FB9] =	sst s0;
	s0 =	simm.s32 @!p2 $0x0  }
0x16: {  	s3 =	sld [smem:$0x3FDB];
	s0 =	simm.s32 @p2 $0x1  }
0x17: {  	s4 =	simm.s32 $0x1BF5;
	[smem:$0x3FBB] =	sst s0  }
0x18: {  	s0 =	sld [smem:$0x3F9E];
	_ =	swait.ge [sflag:s4], $0x0  }
0x19: {  	s7 =	sld [smem:$0x3F9F]  }
0x1a: {  	s8 =	sadd.s32 $0xFFFFE003, lr  }
0x1b: {  	s9 =	sadd.s32 $0xFFFFFEF7, lr;
	s5 =	simm.s32 $0xFFFFFFFF;
	p2 =	slt.u32 s8, $0xFFFFF086  }
0x1c: {  	p1 =	slt.u32 s9, $0xF7A;
	s5 =	simm.s32 @!p2 $0x0  }
0x1d: {  	s5 =	simm.s32 @p1 $0x1;
	p0 =	seq.s32 s7, s2  }
0x1e: {  	s7 =	smul.u32 @!p0 $0xF7A, s2;
	p2 =	seq.s32 @!p0 s5, $0x0  }
0x1f: {  	s9 =	smul.u32 $0xF7A, s1;
	s8 =	simm.s32 @!p0 $0x1BF5;
	p2 =	por !p2, p0  }
0x20: {  	[sflag:s8] =	ssyncset.s32 @!p0 $0xFFFFF086;
	s6 =	sadd.s32 @!p0 s3, s7;
	s7 =	simm.s32 @!p0 $0x108  }
0x21: {  	s3 =	sadd.s32 s3, s9;
	s6 =	sadd.s32 @!p0 $0x88, s6;
	s7 =	simm.s32 @p2 $0x1082  }
0x22: {  	[simem:s7], [sflag:s8] =	dma.local @!p0 [hbm:s6], $0xF7A  }
0x23: {  	s9 =	sor.u32 $0xD0000000, s2;
	s6 =	simm.s32 $0x108;
	_ =	swait.ge @!p0 [sflag:s8], $0x0  }
0x24: {  	s3 =	sadd.s32 $0x88, s3;
	s6 =	simm.s32 @!p1 $0x1082;
	[sflag:s4] =	ssyncset.s32 $0xFFFFF086  }
0x25: {  	[simem:s6], [sflag:s4] =	dma.local [hbm:s3], $0xF7A  }
0x26: {  	[smem:$0x3F9F] =	sst s1;
	(tag) =	ssettag s2;
	_ =	strace s9  }
0x27: {  	s1 =	sld [smem:$0x3FAF]  }
0x28: {  	s2 =	sld [smem:$0x3FB0]  }
0x29: {  	s4 =	sld [smem:$0x3FB2]  }
0x2a: {  	p0 =	seq.s32 s5, $0x0;
	s5 =	sld [smem:$0x3FB3]  }
0x2b: {  	s6 =	sld [smem:$0x3FB4]  }
0x2c: {  	s7 =	sld [smem:$0x3FB5]  }
0x2d: {  	s3 =	simm.s32 $0x108;
	s8 =	sld [smem:$0x3FB6]  }
0x2e: {  	s3 =	simm.s32 @!p0 $0x1082;
	s9 =	sld [smem:$0x3FB7]  }
0x2f: {  	lr =	sadd.s32 s0, s3;
	s0 =	sld [smem:$0x3FAE]  }
0x30: {  	s3 =	sld [smem:$0x3FB1]  }
0x31: {  	[smem:$0x3FBA] =	sst s10  }
0x32: {  	s10 =	sld [smem:$0x3FB8];
	_ =	sdelay $0x3  }
0x33: {  	p0 =	seq.s32 s10, $0x1;
	s10 =	sld [smem:$0x3FBA];
	_ =	sdelay $0x3  }
0x34: {  	[smem:$0x3FBA] =	sst s10  }
0x35: {  	s10 =	sld [smem:$0x3FB9];
	_ =	sdelay $0x3  }
0x36: {  	p1 =	seq.s32 s10, $0x1;
	s10 =	sld [smem:$0x3FBA];
	_ =	sdelay $0x3  }
0x37: {  	[smem:$0x3FBA] =	sst s10  }
0x38: {  	s10 =	sld [smem:$0x3FBB]  }
0x39: {  	_ = 	snop;
	(pc) =	sbr.ind lr, $3  }
0x3a: {  	_ = 	snop  }
0x3b: {  	_ = 	snop  }
0x3c: {  	p2 =	seq.s32 s10, $0x1;
	s10 =	sld [smem:$0x3FBA]  }
0x3d: {  	_ =	shalt  }
0x3e: {  	_ =	shalt  }
0x3f: {  	_ =	shalt  }
0x40: {  	_ =	shalt  }
0x41: {  	_ =	shalt  }
0x42: {  	_ =	shalt  }
0x43: {  	_ =	shalt  }
0x44: {  	_ =	shalt  }
0x45: {  	_ =	shalt  }
0x46: {  	_ =	shalt  }
0x47: {  	_ =	shalt  }
0x48: {  	_ =	shalt  }
0x49: {  	_ =	shalt  }
0x4a: {  	_ =	shalt  }
0x4b: {  	_ =	shalt  }
0x4c: {  	_ =	shalt  }
0x4d: {  	_ =	shalt  }
0x4e: {  	_ =	shalt  }
0x4f: {  	_ =	shalt  }
0x50: {  	_ =	shalt  }
0x51: {  	_ =	shalt  }
0x52: {  	_ =	shalt  }
0x53: {  	_ =	shalt  }
0x54: {  	_ =	shalt  }
0x55: {  	_ =	shalt  }
0x56: {  	_ =	shalt  }
0x57: {  	_ =	shalt  }
0x58: {  	_ =	shalt  }
0x59: {  	_ =	shalt  }
0x5a: {  	_ =	shalt  }
0x5b: {  	_ =	shalt  }
0x5c: {  	_ =	shalt  }
0x5d: {  	_ =	shalt  }
0x5e: {  	_ =	shalt  }
0x5f: {  	_ =	shalt  }
0x60: {  	_ =	shalt  }
0x61: {  	_ =	shalt  }
0x62: {  	_ =	shalt  }
0x63: {  	_ =	shalt  }
0x64: {  	_ =	shalt  }
0x65: {  	_ =	shalt  }
0x66: {  	_ =	shalt  }
0x67: {  	_ =	shalt  }
0x68: {  	_ =	shalt  }
0x69: {  	_ =	shalt  }
0x6a: {  	_ =	shalt  }
0x6b: {  	_ =	shalt  }
0x6c: {  	_ =	shalt  }
0x6d: {  	_ =	shalt  }
0x6e: {  	_ =	shalt  }
0x6f: {  	_ =	shalt  }
0x70: {  	_ =	shalt  }
0x71: {  	_ =	shalt  }
0x72: {  	_ =	shalt  }
0x73: {  	_ =	shalt  }
0x74: {  	_ =	shalt  }
0x75: {  	_ =	shalt  }
0x76: {  	_ =	shalt  }
0x77: {  	_ =	shalt  }
0x78: {  	_ =	shalt  }
0x79: {  	_ =	shalt  }
0x7a: {  	_ =	shalt  }
0x7b: {  	_ =	shalt  }
0x7c: {  	_ =	shalt  }
0x7d: {  	_ =	shalt  }
0x7e: {  	_ =	shalt  }
0x7f: {  	_ =	shalt  }
0x80: {  	_ =	shalt  }
0x81: {  	_ =	shalt  }
0x82: {  	_ =	shalt  }
0x83: {  	_ =	shalt  }
0x84: {  	_ =	shalt  }
0x85: {  	_ =	shalt  }
0x86: {  	_ =	shalt  }
0x87: {  	_ =	shalt  }
.Lfunc_end0:
.L_simem_size_0:
called_computation_lowered:
.L_overlay_start_0:
0x88: {  	s2 =	sld [smem:$0x3FD9]  }
0x89: {  	s3 =	sld [smem:$0x3FFE];
	_ =	sdelay $0x1  }
0x8a: {  	s1 =	srdreg.scid  }
0x8b: {  	s0 =	sand.u32 $0x1, s1  }
0x8c: {  	s17 =	sshll.u32 s0, $0xA;
	s2 =	sadd.s32 s3, s2  }
0x8d: {  	s2 =	sadd.s32 s2, s17  }
0x8e: {  	[smem:$0x3FC6] =	sst s2  }
0x8f: {  	_ = 	snop  }
0x90: {  	s2 =	sld [smem:$0x3FD0];
	(tm) =	ssettm $0x1  }
0x91: {  	s18 =	sld [smem:$0x3FFB];
	_ =	sdelay $0x3  }
0x92: {  	_ =	strace s18  }
0x93: {  	s3 =	sld [smem:$0x3FFC];
	_ =	sdelay $0x3  }
0x94: {  	_ =	strace s3  }
0x95: {  	s3 =	sld [smem:$0x3FFD];
	_ =	sdelay $0x3  }
0x96: {  	_ =	strace s3  }
0x97: {  	_ =	strace $0x8FFFFFFF  }
0x98: {  	s19 =	sld [smem:$0x3FDB];
	_ =	sdelay $0x1  }
0x99: {  	s4 =	simm.s32 $_scs_section_size  }
0x9a: {  	s5 =	simm.s32 $_size__tile_overlayer_lowered;
	s6 =	simm.s32 $_tile_overlayer_lowered  }
0x9b: {  	s22 =	simm.s32 $0x1BFF;
	s21 =	sshll.u32 s6, $0x1;
	s3 =	sadd.s32 s4, s19  }
0x9c: {  	s7 =	simm.s32 $0x0;
	s20 =	sshll.u32 s5, $0x1;
	s5 =	sadd.s32 s21, s3  }
0x9d: {  	[timem:s7], [sflag:s22] =	dma.local [hbm:s5], s20  }
0x9e: {  	_ =	swait.ge [sflag:s22], s20  }
0x9f: {  	s4 =	ssub.s32 $0x0, s20;
	[sflag:s22] =	ssyncset.done $0x0  }
0xa0: {  	[sflag:s22] =	ssyncadd.s32 s4;
	_ =	sdelay $0x1  }
0xa1: {  	s23 =	simm.s32 $0x1B8B  }
0xa2: {  	_ =	swait.ge [sflag:s23], $0x1  }
0xa3: {  	[sflag:s23] =	ssyncset.done $0x0  }
0xa4: {  	s25 =	simm.s32 $0x1B8E;
	s24 =	sld [smem:$0x3FFE];
	[sflag:s23] =	ssyncadd.s32 $0xFFFFFFFF  }
0xa5: {  	s26 =	simm.s32 $execute0_lowered;
	[smem:$0x3FD2] =	sst s25  }
0xa6: {  	s5 =	sshll.u32 s26, $0x1;
	_ =	strace $0x80000046;
	[dreg:$0x1] =	wrdreg $0xFFFFFFFF  }
0xa7: {  	s28 =	simm.s32 $_size_execute0_lowered;
	s3 =	sadd.s32 s3, s5;
	[dreg:$0x0] =	wrdreg $0x0  }
0xa8: {  	s5 =	sshll.u32 s28, $0x1;
	[dreg:$0x2] =	wrdreg s3  }
0xa9: {  	[dreg:$0x3] =	wrdreg s5  }
0xaa: {  	[dreg:$0x4] =	wrdreg $0xC0  }
0xab: {  	_ =	task [dreg:s7], $0x5FFFF  }
0xac: {  	[dreg:$0x1] =	wrdreg $0xFFFFFFFF  }
0xad: {  	[dreg:$0x0] =	wrdreg $0x60  }
0xae: {  	[dreg:$0x2] =	wrdreg s2  }
0xaf: {  	[dreg:$0x3] =	wrdreg s24  }
0xb0: {  	[dreg:$0x4] =	wrdreg $0x9  }
0xb1: {  	_ =	task.clear_ibuf [dreg:s7], $0x5FFFF;
	_ =	strace $0x90000046  }
0xb2: {  	s29 =	simm.s32 $0x9;
	_ =	strace $0x80000048  }
0xb3: {  	_ =	swait.ge [sflag:s29], $0x1  }
0xb4: {  	[sflag:s29] =	ssyncadd.s32 $0xFFFFFFFF  }
0xb5: {  	_ =	strace $0x90000048  }
0xb6: {  	_ =	sfence  }
0xb7: {  	s30 =	sld [smem:$0x0];
	_ =	sdelay $0x2  }
0xb8: {  	s31 =	sshll.u32 s1, $0xD;
	s1 =	sshrl.u32 s1, $0x2  }
0xb9: {  	s3 =	sand.u32 $0x4000, s31;
	s1 =	sadd.s32 s1, s30  }
0xba: {  	s0 =	sor.u32 s3, s0;
	s1 =	sshll.u32 s1, $0x11  }
0xbb: {  	s0 =	sor.u32 s1, s0  }
0xbc: {  	s0 =	sadd.s32 $0x8F2B, s0  }
0xbd: {  	[sflag:s0] =	ssyncadd.remote.s32 $0x1  }
0xbe: {  	_ =	sfence.sel $0xFFFF  }
0xbf: {  	[dreg:$0x0] =	wrdreg $0xFFFFFFFF;
	(pc) =	sbr.abs _section_cstart, $3  }
0xc0: {  	[dreg:$0x1] =	wrdreg $0xFFFFFFFF  }
0xc1: {  	_ =	task.clear_ibuf [dreg:s7], $0x2FFFF;
	_ =	strace $0x9FFFFFFF  }
0xc2: {  	(tm) =	ssettm $0x7FFFFFFF  }
0xc3: {  	_ =	shalt  }
tec
execute0_lowered:
.L_overlay_start_1:
0x0: {  	(tag) =	ssettag $0x1  }
0x1: {  	s0 =	rddreg [dreg:$0x1];
	s14 =	simm.s32 $0x0  }
0x2: {  	s1 =	srdreg.scid;
	s6 =	stileid.u32;
	s12 =	simm.s32 $0x3  }
0x3: {  	s21 =	simm.s32 $0x6900;
	s22 =	simm.s32 $0x7500;
	s23 =	simm.s32 $0x8100  }
0x4: {  	s24 =	simm.s32 $0x8D00;
	s25 =	simm.s32 $0x9900;
	s28 =	simm.s32 $0xB100  }
0x5: {  	s29 =	simm.s32 $0xBD00;
	s30 =	simm.s32 $0xC900;
	s31 =	simm.s32 $0xD500  }
0x6: {  	s9 =	simm.s32 $0xF900;
	s10 =	simm.s32 $0x11D00;
	s11 =	simm.s32 $0x12900  }
0x7: {  	s13 =	simm.s32 $0x1;
	[smem:$0x7FF] =	sst s14;
	s4 =	sadd.s32 $0x400, s0  }
0x8: {  	s1 =	sand.u32 $0x1, s1;
	s5 =	sadd.s32 $0x2DC7000, s0;
	s7 =	sshll.u32 s6, $0x8  }
0x9: {  	s6 =	sadd.s32 $0x3D09400, s0;
	s8 =	sadd.s32 $0x480, s0;
	s2 =	ssub.s32 $0x2, s1  }
0xa: {  	s0 =	simm.s32 $0xE100;
	s1 =	sshll.u32 s1, $0x7;
	s3 =	sshrl.u32 s2, $0x1  }
0xb: {  	v2 =	vlaneseq.u32;
	_ =	strace $0x80000047;
	s7 =	sor.u32 s1, s7;
	s2 =	ssub.s32 s2, s3  }
0xc: {  	vm0 =	vmmov $0xff;
	v1 =	vshrl.u32 v2, $0x3;
	s1 =	simm.s32 $0x11100;
	s3 =	simm.s32 $0xED00;
	s26 =	smax.u32 s2, $0x1  }
0xd: {  	v0 =	vand.u32 $0x7, v2;
	v2 =	vor.u32 $0x8, v2;
	v1 =	vmul.u32 $0x8, v1;
	s2 =	simm.s32 $0x10500;
	[dreg:$0x4] =	wrdreg s26;
	s26 =	simm.s32 $0xA500  }
.LBB2_1:
0xe: {  	[dreg:$0x3] =	wrdreg s14;
	s14 =	simm.s32 $0x0  }
.LBB2_2:
0xf: {  	s15 =	sadd.s32 s7, s14;
	s16 =	sshll.u32 s14, $0x4  }
0x10: {  	s18 =	rddreg [dreg:$0x0];
	s17 =	sshll.u32 s15, $0x5;
	s16 =	sand.u32 $0x70, s16  }
0x11: {  	s20 =	simm.s32 $0x80;
	s17 =	sand.u32 $0x1FF00, s17;
	s16 =	sadd.s32 s18, s16  }
0x12: {  	s19 =	simm.s32 $0x400;
	s17 =	sadd.s32 s17, s16;
	s16 =	simm.s32 $0x0  }
0x13: {  	[tilespmem:s16], [sflag:$0x3] =	stream.strided.gather [hbm4b:s17+s20], $0x100, s19, s20, $0x38;
	[tilespmem:$0x14500] =	vst v63  }
0x14: {  	_ =	swait.ge [sflag:s12], $0x100  }
0x15: {  	[sflag:s12] =	ssyncset.done $0x0  }
0x16: {  	[sflag:s12] =	ssyncadd.s32 $0xFFFFFF00  }
0x17: {  	v3 =	vld [tilespmem:$0x0];
	_ =	sdelay $0x4  }
0x18: {  	v4 =	vshrl.u32 v3, $0x3  }
0x19: {  	v4 =	vmul.u32 $0x18, v4  }
0x1a: {  	v3 =	vand.u32 $0x7, v3  }
0x1b: {  	v3 =	vor.u32 v3, v4  }
0x1c: {  	v4 =	vperm.xlane v3, v0;
	_ =	sdelay $0x1  }
0x1d: {  	v3 =	vperm.xlane v3, v2;
	v4 =	vadd.s32 v1, v4;
	_ =	sdelay $0x1  }
0x1e: {  	v3 =	vadd.s32 v1, v3;
	_ =	sdelay $0x1  }
0x1f: {  	s18 =	simm.s32 $0x100  }
0x20: {  	[tilespmem:s18], [sflag:$0x1] =	stream.indirect_vreg.gather [hbm4b:s4+s16], $0x80, v4, vm0, $0xb8;
	[tilespmem:$0x14500] =	vst v63  }
0x21: {  	s19 =	simm.s32 $0xD00  }
0x22: {  	[tilespmem:s19], [sflag:$0x1] =	stream.indirect_vreg.gather [hbm4b:s4+s16], $0x80, v3, vm0, $0xb8;
	[tilespmem:$0x14500] =	vst v63  }
0x23: {  	v3 =	vld [tilespmem:$0x10];
	_ =	sdelay $0x4  }
0x24: {  	v4 =	vshrl.u32 v3, $0x3  }
0x25: {  	v4 =	vmul.u32 $0x18, v4  }
0x26: {  	v3 =	vand.u32 $0x7, v3  }
0x27: {  	v3 =	vor.u32 v3, v4  }
0x28: {  	v4 =	vperm.xlane v3, v0;
	_ =	sdelay $0x1  }
0x29: {  	v3 =	vperm.xlane v3, v2;
	v4 =	vadd.s32 v1, v4;
	_ =	sdelay $0x1  }
0x2a: {  	v3 =	vadd.s32 v1, v3;
	_ =	sdelay $0x1  }
0x2b: {  	s20 =	simm.s32 $0x1900  }
0x2c: {  	[tilespmem:s20], [sflag:$0x1] =	stream.indirect_vreg.gather [hbm4b:s4+s16], $0x80, v4, vm0, $0xb8;
	[tilespmem:$0x14500] =	vst v63  }
0x2d: {  	s18 =	simm.s32 $0x2500  }
0x2e: {  	[tilespmem:s18], [sflag:$0x1] =	stream.indirect_vreg.gather [hbm4b:s4+s16], $0x80, v3, vm0, $0xb8;
	[tilespmem:$0x14500] =	vst v63  }
0x2f: {  	v3 =	vld [tilespmem:$0x20];
	_ =	sdelay $0x4  }
0x30: {  	v4 =	vshrl.u32 v3, $0x3  }
0x31: {  	v4 =	vmul.u32 $0x18, v4  }
0x32: {  	v3 =	vand.u32 $0x7, v3  }
0x33: {  	v3 =	vor.u32 v3, v4  }
0x34: {  	v4 =	vperm.xlane v3, v0;
	_ =	sdelay $0x1  }
0x35: {  	v3 =	vperm.xlane v3, v2;
	v4 =	vadd.s32 v1, v4;
	_ =	sdelay $0x1  }
0x36: {  	v3 =	vadd.s32 v1, v3;
	_ =	sdelay $0x1  }
0x37: {  	s19 =	simm.s32 $0x3100  }
0x38: {  	[tilespmem:s19], [sflag:$0x1] =	stream.indirect_vreg.gather [hbm4b:s4+s16], $0x80, v4, vm0, $0xb8;
	[tilespmem:$0x14500] =	vst v63  }
0x39: {  	s20 =	simm.s32 $0x3D00  }
0x3a: {  	[tilespmem:s20], [sflag:$0x1] =	stream.indirect_vreg.gather [hbm4b:s4+s16], $0x80, v3, vm0, $0xb8;
	[tilespmem:$0x14500] =	vst v63  }
0x3b: {  	v3 =	vld [tilespmem:$0x30];
	_ =	sdelay $0x4  }
0x3c: {  	v4 =	vshrl.u32 v3, $0x3  }
0x3d: {  	v4 =	vmul.u32 $0x18, v4  }
0x3e: {  	v3 =	vand.u32 $0x7, v3  }
0x3f: {  	v3 =	vor.u32 v3, v4  }
0x40: {  	v4 =	vperm.xlane v3, v0;
	_ =	sdelay $0x1  }
0x41: {  	v3 =	vperm.xlane v3, v2;
	v4 =	vadd.s32 v1, v4;
	_ =	sdelay $0x1  }
0x42: {  	v3 =	vadd.s32 v1, v3;
	_ =	sdelay $0x1  }
0x43: {  	s18 =	simm.s32 $0x4900  }
0x44: {  	[tilespmem:s18], [sflag:$0x1] =	stream.indirect_vreg.gather [hbm4b:s4+s16], $0x80, v4, vm0, $0xb8;
	[tilespmem:$0x14500] =	vst v63  }
0x45: {  	s19 =	simm.s32 $0x5500  }
0x46: {  	[tilespmem:s19], [sflag:$0x1] =	stream.indirect_vreg.gather [hbm4b:s4+s16], $0x80, v3, vm0, $0xb8;
	[tilespmem:$0x14500] =	vst v63  }
0x47: {  	v3 =	vld [tilespmem:$0x40];
	_ =	sdelay $0x4  }
0x48: {  	v4 =	vshrl.u32 v3, $0x3  }
0x49: {  	v4 =	vmul.u32 $0x18, v4  }
0x4a: {  	v3 =	vand.u32 $0x7, v3  }
0x4b: {  	v3 =	vor.u32 v3, v4  }
0x4c: {  	v4 =	vperm.xlane v3, v0;
	_ =	sdelay $0x1  }
0x4d: {  	v3 =	vperm.xlane v3, v2;
	v4 =	vadd.s32 v1, v4;
	_ =	sdelay $0x1  }
0x4e: {  	v3 =	vadd.s32 v1, v3;
	_ =	sdelay $0x1  }
0x4f: {  	s20 =	simm.s32 $0x6100  }
0x50: {  	[tilespmem:s20], [sflag:$0x1] =	stream.indirect_vreg.gather [hbm4b:s4+s16], $0x80, v4, vm0, $0xb8;
	[tilespmem:$0x14500] =	vst v63  }
0x51: {  	s18 =	simm.s32 $0x6D00  }
0x52: {  	[tilespmem:s18], [sflag:$0x1] =	stream.indirect_vreg.gather [hbm4b:s4+s16], $0x80, v3, vm0, $0xb8;
	[tilespmem:$0x14500] =	vst v63  }
0x53: {  	v3 =	vld [tilespmem:$0x50];
	_ =	sdelay $0x4  }
0x54: {  	v4 =	vshrl.u32 v3, $0x3  }
0x55: {  	v4 =	vmul.u32 $0x18, v4  }
0x56: {  	v3 =	vand.u32 $0x7, v3  }
0x57: {  	v3 =	vor.u32 v3, v4  }
0x58: {  	v4 =	vperm.xlane v3, v0;
	_ =	sdelay $0x1  }
0x59: {  	v3 =	vperm.xlane v3, v2;
	v4 =	vadd.s32 v1, v4;
	_ =	sdelay $0x1  }
0x5a: {  	v3 =	vadd.s32 v1, v3;
	_ =	sdelay $0x1  }
0x5b: {  	s19 =	simm.s32 $0x7900  }
0x5c: {  	[tilespmem:s19], [sflag:$0x1] =	stream.indirect_vreg.gather [hbm4b:s4+s16], $0x80, v4, vm0, $0xb8;
	[tilespmem:$0x14500] =	vst v63  }
0x5d: {  	s20 =	simm.s32 $0x8500  }
0x5e: {  	[tilespmem:s20], [sflag:$0x1] =	stream.indirect_vreg.gather [hbm4b:s4+s16], $0x80, v3, vm0, $0xb8;
	[tilespmem:$0x14500] =	vst v63  }
0x5f: {  	v3 =	vld [tilespmem:$0x60];
	_ =	sdelay $0x4  }
0x60: {  	v4 =	vshrl.u32 v3, $0x3  }
0x61: {  	v4 =	vmul.u32 $0x18, v4  }
0x62: {  	v3 =	vand.u32 $0x7, v3  }
0x63: {  	v3 =	vor.u32 v3, v4  }
0x64: {  	v4 =	vperm.xlane v3, v0;
	_ =	sdelay $0x1  }
0x65: {  	v3 =	vperm.xlane v3, v2;
	v4 =	vadd.s32 v1, v4;
	_ =	sdelay $0x1  }
0x66: {  	v3 =	vadd.s32 v1, v3;
	_ =	sdelay $0x1  }
0x67: {  	s18 =	simm.s32 $0x9100  }
0x68: {  	[tilespmem:s18], [sflag:$0x1] =	stream.indirect_vreg.gather [hbm4b:s4+s16], $0x80, v4, vm0, $0xb8;
	[tilespmem:$0x14500] =	vst v63  }
0x69: {  	s19 =	simm.s32 $0x9D00  }
0x6a: {  	[tilespmem:s19], [sflag:$0x1] =	stream.indirect_vreg.gather [hbm4b:s4+s16], $0x80, v3, vm0, $0xb8;
	[tilespmem:$0x14500] =	vst v63  }
0x6b: {  	v3 =	vld [tilespmem:$0x70];
	_ =	sdelay $0x4  }
0x6c: {  	v4 =	vshrl.u32 v3, $0x3  }
0x6d: {  	v4 =	vmul.u32 $0x18, v4  }
0x6e: {  	v3 =	vand.u32 $0x7, v3  }
0x6f: {  	v3 =	vor.u32 v3, v4  }
0x70: {  	v4 =	vperm.xlane v3, v0;
	_ =	sdelay $0x1  }
0x71: {  	v3 =	vperm.xlane v3, v2;
	v4 =	vadd.s32 v1, v4;
	_ =	sdelay $0x1  }
0x72: {  	v3 =	vadd.s32 v1, v3;
	_ =	sdelay $0x1  }
0x73: {  	s20 =	simm.s32 $0xA900  }
0x74: {  	[tilespmem:s20], [sflag:$0x1] =	stream.indirect_vreg.gather [hbm4b:s4+s16], $0x80, v4, vm0, $0xb8;
	[tilespmem:$0x14500] =	vst v63  }
0x75: {  	s18 =	simm.s32 $0xB500  }
0x76: {  	[tilespmem:s18], [sflag:$0x1] =	stream.indirect_vreg.gather [hbm4b:s4+s16], $0x80, v3, vm0, $0xb8;
	[tilespmem:$0x14500] =	vst v63  }
0x77: {  	v3 =	vld [tilespmem:$0x80];
	_ =	sdelay $0x4  }
0x78: {  	v4 =	vshrl.u32 v3, $0x3  }
0x79: {  	v4 =	vmul.u32 $0x18, v4  }
0x7a: {  	v3 =	vand.u32 $0x7, v3  }
0x7b: {  	v3 =	vor.u32 v3, v4  }
0x7c: {  	v4 =	vperm.xlane v3, v0;
	_ =	sdelay $0x1  }
0x7d: {  	v3 =	vperm.xlane v3, v2;
	v4 =	vadd.s32 v1, v4;
	_ =	sdelay $0x1  }
0x7e: {  	v3 =	vadd.s32 v1, v3;
	_ =	sdelay $0x1  }
0x7f: {  	s19 =	simm.s32 $0xC100  }
0x80: {  	[tilespmem:s19], [sflag:$0x1] =	stream.indirect_vreg.gather [hbm4b:s4+s16], $0x80, v4, vm0, $0xb8;
	[tilespmem:$0x14500] =	vst v63  }
0x81: {  	s20 =	simm.s32 $0xCD00  }
0x82: {  	[tilespmem:s20], [sflag:$0x1] =	stream.indirect_vreg.gather [hbm4b:s4+s16], $0x80, v3, vm0, $0xb8;
	[tilespmem:$0x14500] =	vst v63  }
0x83: {  	v3 =	vld [tilespmem:$0x90];
	_ =	sdelay $0x4  }
0x84: {  	v4 =	vshrl.u32 v3, $0x3  }
0x85: {  	v4 =	vmul.u32 $0x18, v4  }
0x86: {  	v3 =	vand.u32 $0x7, v3  }
0x87: {  	v3 =	vor.u32 v3, v4  }
0x88: {  	v4 =	vperm.xlane v3, v0;
	_ =	sdelay $0x1  }
0x89: {  	v3 =	vperm.xlane v3, v2;
	v4 =	vadd.s32 v1, v4;
	_ =	sdelay $0x1  }
0x8a: {  	v3 =	vadd.s32 v1, v3;
	_ =	sdelay $0x1  }
0x8b: {  	s18 =	simm.s32 $0xD900  }
0x8c: {  	[tilespmem:s18], [sflag:$0x1] =	stream.indirect_vreg.gather [hbm4b:s4+s16], $0x80, v4, vm0, $0xb8;
	[tilespmem:$0x14500] =	vst v63  }
0x8d: {  	s19 =	simm.s32 $0xE500  }
0x8e: {  	[tilespmem:s19], [sflag:$0x1] =	stream.indirect_vreg.gather [hbm4b:s4+s16], $0x80, v3, vm0, $0xb8;
	[tilespmem:$0x14500] =	vst v63  }
0x8f: {  	v3 =	vld [tilespmem:$0xA0];
	_ =	sdelay $0x4  }
0x90: {  	v4 =	vshrl.u32 v3, $0x3  }
0x91: {  	v4 =	vmul.u32 $0x18, v4  }
0x92: {  	v3 =	vand.u32 $0x7, v3  }
0x93: {  	v3 =	vor.u32 v3, v4  }
0x94: {  	v4 =	vperm.xlane v3, v0;
	_ =	sdelay $0x1  }
0x95: {  	v3 =	vperm.xlane v3, v2;
	v4 =	vadd.s32 v1, v4;
	_ =	sdelay $0x1  }
0x96: {  	v3 =	vadd.s32 v1, v3;
	_ =	sdelay $0x1  }
0x97: {  	s20 =	simm.s32 $0xF100  }
0x98: {  	[tilespmem:s20], [sflag:$0x1] =	stream.indirect_vreg.gather [hbm4b:s4+s16], $0x80, v4, vm0, $0xb8;
	[tilespmem:$0x14500] =	vst v63  }
0x99: {  	s18 =	simm.s32 $0xFD00  }
0x9a: {  	[tilespmem:s18], [sflag:$0x1] =	stream.indirect_vreg.gather [hbm4b:s4+s16], $0x80, v3, vm0, $0xb8;
	[tilespmem:$0x14500] =	vst v63  }
0x9b: {  	v3 =	vld [tilespmem:$0xB0];
	_ =	sdelay $0x4  }
0x9c: {  	v4 =	vshrl.u32 v3, $0x3  }
0x9d: {  	v4 =	vmul.u32 $0x18, v4  }
0x9e: {  	v3 =	vand.u32 $0x7, v3  }
0x9f: {  	v3 =	vor.u32 v3, v4  }
0xa0: {  	v4 =	vperm.xlane v3, v0;
	_ =	sdelay $0x1  }
0xa1: {  	v3 =	vperm.xlane v3, v2;
	v4 =	vadd.s32 v1, v4;
	_ =	sdelay $0x1  }
0xa2: {  	v3 =	vadd.s32 v1, v3;
	_ =	sdelay $0x1  }
0xa3: {  	s19 =	simm.s32 $0x10900  }
0xa4: {  	[tilespmem:s19], [sflag:$0x1] =	stream.indirect_vreg.gather [hbm4b:s4+s16], $0x80, v4, vm0, $0xb8;
	[tilespmem:$0x14500] =	vst v63  }
0xa5: {  	s20 =	simm.s32 $0x11500  }
0xa6: {  	[tilespmem:s20], [sflag:$0x1] =	stream.indirect_vreg.gather [hbm4b:s4+s16], $0x80, v3, vm0, $0xb8;
	[tilespmem:$0x14500] =	vst v63  }
0xa7: {  	v3 =	vld.msk [tilespmem:$0xC0], $0xff;
	_ =	sdelay $0x4  }
0xa8: {  	v4 =	vshrl.u32 v3, $0x3  }
0xa9: {  	v4 =	vmul.u32 $0x18, v4  }
0xaa: {  	v3 =	vand.u32 $0x7, v3  }
0xab: {  	v3 =	vor.u32 v3, v4  }
0xac: {  	v3 =	vperm.xlane v3, v0;
	_ =	sdelay $0x1  }
0xad: {  	v3 =	vadd.s32 v1, v3;
	_ =	sdelay $0x3  }
0xae: {  	s18 =	simm.s32 $0x12100  }
0xaf: {  	[tilespmem:s18], [sflag:$0x1] =	stream.indirect_vreg.gather [hbm4b:s4+s16], $0x80, v3, vm0, $0xb8;
	[tilespmem:$0x14500] =	vst v63  }
0xb0: {  	v3 =	vld [tilespmem:$0x0];
	_ =	sdelay $0x4  }
0xb1: {  	v4 =	vshrl.u32 v3, $0x3  }
0xb2: {  	v4 =	vmul.u32 $0x18, v4  }
0xb3: {  	v3 =	vand.u32 $0x7, v3  }
0xb4: {  	v3 =	vor.u32 v3, v4  }
0xb5: {  	v4 =	vperm.xlane v3, v0;
	_ =	sdelay $0x1  }
0xb6: {  	v3 =	vperm.xlane v3, v2;
	v4 =	vadd.s32 v1, v4;
	_ =	sdelay $0x1  }
0xb7: {  	v3 =	vadd.s32 v1, v3;
	_ =	sdelay $0x1  }
0xb8: {  	s19 =	simm.s32 $0x500  }
0xb9: {  	[tilespmem:s19], [sflag:$0x1] =	stream.indirect_vreg.gather [hbm4b:s8+s16], $0x80, v4, vm0, $0xb8;
	[tilespmem:$0x14500] =	vst v63  }
0xba: {  	s20 =	simm.s32 $0x1100  }
0xbb: {  	[tilespmem:s20], [sflag:$0x1] =	stream.indirect_vreg.gather [hbm4b:s8+s16], $0x80, v3, vm0, $0xb8;
	[tilespmem:$0x14500] =	vst v63  }
0xbc: {  	v3 =	vld [tilespmem:$0x10];
	_ =	sdelay $0x4  }
0xbd: {  	v4 =	vshrl.u32 v3, $0x3  }
0xbe: {  	v4 =	vmul.u32 $0x18, v4  }
0xbf: {  	v3 =	vand.u32 $0x7, v3  }
0xc0: {  	v3 =	vor.u32 v3, v4  }
0xc1: {  	v4 =	vperm.xlane v3, v0;
	_ =	sdelay $0x1  }
0xc2: {  	v3 =	vperm.xlane v3, v2;
	v4 =	vadd.s32 v1, v4;
	_ =	sdelay $0x1  }
0xc3: {  	v3 =	vadd.s32 v1, v3;
	_ =	sdelay $0x1  }
0xc4: {  	s18 =	simm.s32 $0x1D00  }
0xc5: {  	[tilespmem:s18], [sflag:$0x1] =	stream.indirect_vreg.gather [hbm4b:s8+s16], $0x80, v4, vm0, $0xb8;
	[tilespmem:$0x14500] =	vst v63  }
0xc6: {  	s19 =	simm.s32 $0x2900  }
0xc7: {  	[tilespmem:s19], [sflag:$0x1] =	stream.indirect_vreg.gather [hbm4b:s8+s16], $0x80, v3, vm0, $0xb8;
	[tilespmem:$0x14500] =	vst v63  }
0xc8: {  	v3 =	vld [tilespmem:$0x20];
	_ =	sdelay $0x4  }
0xc9: {  	v4 =	vshrl.u32 v3, $0x3  }
0xca: {  	v4 =	vmul.u32 $0x18, v4  }
0xcb: {  	v3 =	vand.u32 $0x7, v3  }
0xcc: {  	v3 =	vor.u32 v3, v4  }
0xcd: {  	v4 =	vperm.xlane v3, v0;
	_ =	sdelay $0x1  }
0xce: {  	v3 =	vperm.xlane v3, v2;
	v4 =	vadd.s32 v1, v4;
	_ =	sdelay $0x1  }
0xcf: {  	v3 =	vadd.s32 v1, v3;
	_ =	sdelay $0x1  }
0xd0: {  	s20 =	simm.s32 $0x3500  }
0xd1: {  	[tilespmem:s20], [sflag:$0x1] =	stream.indirect_vreg.gather [hbm4b:s8+s16], $0x80, v4, vm0, $0xb8;
	[tilespmem:$0x14500] =	vst v63  }
0xd2: {  	s18 =	simm.s32 $0x4100  }
0xd3: {  	[tilespmem:s18], [sflag:$0x1] =	stream.indirect_vreg.gather [hbm4b:s8+s16], $0x80, v3, vm0, $0xb8;
	[tilespmem:$0x14500] =	vst v63  }
0xd4: {  	v3 =	vld [tilespmem:$0x30];
	_ =	sdelay $0x4  }
0xd5: {  	v4 =	vshrl.u32 v3, $0x3  }
0xd6: {  	v4 =	vmul.u32 $0x18, v4  }
0xd7: {  	v3 =	vand.u32 $0x7, v3  }
0xd8: {  	v3 =	vor.u32 v3, v4  }
0xd9: {  	v4 =	vperm.xlane v3, v0;
	_ =	sdelay $0x1  }
0xda: {  	v3 =	vperm.xlane v3, v2;
	v4 =	vadd.s32 v1, v4;
	_ =	sdelay $0x1  }
0xdb: {  	v3 =	vadd.s32 v1, v3;
	_ =	sdelay $0x1  }
0xdc: {  	s19 =	simm.s32 $0x4D00  }
0xdd: {  	[tilespmem:s19], [sflag:$0x1] =	stream.indirect_vreg.gather [hbm4b:s8+s16], $0x80, v4, vm0, $0xb8;
	[tilespmem:$0x14500] =	vst v63  }
0xde: {  	s20 =	simm.s32 $0x5900  }
0xdf: {  	[tilespmem:s20], [sflag:$0x1] =	stream.indirect_vreg.gather [hbm4b:s8+s16], $0x80, v3, vm0, $0xb8;
	[tilespmem:$0x14500] =	vst v63  }
0xe0: {  	v3 =	vld [tilespmem:$0x40];
	_ =	sdelay $0x4  }
0xe1: {  	v4 =	vshrl.u32 v3, $0x3  }
0xe2: {  	v4 =	vmul.u32 $0x18, v4  }
0xe3: {  	v3 =	vand.u32 $0x7, v3  }
0xe4: {  	v3 =	vor.u32 v3, v4  }
0xe5: {  	v4 =	vperm.xlane v3, v0;
	_ =	sdelay $0x1  }
0xe6: {  	v3 =	vperm.xlane v3, v2;
	v4 =	vadd.s32 v1, v4;
	_ =	sdelay $0x1  }
0xe7: {  	v3 =	vadd.s32 v1, v3;
	_ =	sdelay $0x1  }
0xe8: {  	s18 =	simm.s32 $0x6500  }
0xe9: {  	[tilespmem:s18], [sflag:$0x1] =	stream.indirect_vreg.gather [hbm4b:s8+s16], $0x80, v4, vm0, $0xb8;
	[tilespmem:$0x14500] =	vst v63  }
0xea: {  	s19 =	simm.s32 $0x7100  }
0xeb: {  	[tilespmem:s19], [sflag:$0x1] =	stream.indirect_vreg.gather [hbm4b:s8+s16], $0x80, v3, vm0, $0xb8;
	[tilespmem:$0x14500] =	vst v63  }
0xec: {  	v3 =	vld [tilespmem:$0x50];
	_ =	sdelay $0x4  }
0xed: {  	v4 =	vshrl.u32 v3, $0x3  }
0xee: {  	v4 =	vmul.u32 $0x18, v4  }
0xef: {  	v3 =	vand.u32 $0x7, v3  }
0xf0: {  	v3 =	vor.u32 v3, v4  }
0xf1: {  	v4 =	vperm.xlane v3, v0;
	_ =	sdelay $0x1  }
0xf2: {  	v3 =	vperm.xlane v3, v2;
	v4 =	vadd.s32 v1, v4;
	_ =	sdelay $0x1  }
0xf3: {  	v3 =	vadd.s32 v1, v3;
	_ =	sdelay $0x1  }
0xf4: {  	s20 =	simm.s32 $0x7D00  }
0xf5: {  	[tilespmem:s20], [sflag:$0x1] =	stream.indirect_vreg.gather [hbm4b:s8+s16], $0x80, v4, vm0, $0xb8;
	[tilespmem:$0x14500] =	vst v63  }
0xf6: {  	s18 =	simm.s32 $0x8900  }
0xf7: {  	[tilespmem:s18], [sflag:$0x1] =	stream.indirect_vreg.gather [hbm4b:s8+s16], $0x80, v3, vm0, $0xb8;
	[tilespmem:$0x14500] =	vst v63  }
0xf8: {  	v3 =	vld [tilespmem:$0x60];
	_ =	sdelay $0x4  }
0xf9: {  	v4 =	vshrl.u32 v3, $0x3  }
0xfa: {  	v4 =	vmul.u32 $0x18, v4  }
0xfb: {  	v3 =	vand.u32 $0x7, v3  }
0xfc: {  	v3 =	vor.u32 v3, v4  }
0xfd: {  	v4 =	vperm.xlane v3, v0;
	_ =	sdelay $0x1  }
0xfe: {  	v3 =	vperm.xlane v3, v2;
	v4 =	vadd.s32 v1, v4;
	_ =	sdelay $0x1  }
0xff: {  	v3 =	vadd.s32 v1, v3;
	_ =	sdelay $0x1  }
0x100: {  	s19 =	simm.s32 $0x9500  }
0x101: {  	[tilespmem:s19], [sflag:$0x1] =	stream.indirect_vreg.gather [hbm4b:s8+s16], $0x80, v4, vm0, $0xb8;
	[tilespmem:$0x14500] =	vst v63  }
0x102: {  	s20 =	simm.s32 $0xA100  }
0x103: {  	[tilespmem:s20], [sflag:$0x1] =	stream.indirect_vreg.gather [hbm4b:s8+s16], $0x80, v3, vm0, $0xb8;
	[tilespmem:$0x14500] =	vst v63  }
0x104: {  	v3 =	vld [tilespmem:$0x70];
	_ =	sdelay $0x4  }
0x105: {  	v4 =	vshrl.u32 v3, $0x3  }
0x106: {  	v4 =	vmul.u32 $0x18, v4  }
0x107: {  	v3 =	vand.u32 $0x7, v3  }
0x108: {  	v3 =	vor.u32 v3, v4  }
0x109: {  	v4 =	vperm.xlane v3, v0;
	_ =	sdelay $0x1  }
0x10a: {  	v3 =	vperm.xlane v3, v2;
	v4 =	vadd.s32 v1, v4;
	_ =	sdelay $0x1  }
0x10b: {  	v3 =	vadd.s32 v1, v3;
	_ =	sdelay $0x1  }
0x10c: {  	s18 =	simm.s32 $0xAD00  }
0x10d: {  	[tilespmem:s18], [sflag:$0x1] =	stream.indirect_vreg.gather [hbm4b:s8+s16], $0x80, v4, vm0, $0xb8;
	[tilespmem:$0x14500] =	vst v63  }
0x10e: {  	s19 =	simm.s32 $0xB900  }
0x10f: {  	[tilespmem:s19], [sflag:$0x1] =	stream.indirect_vreg.gather [hbm4b:s8+s16], $0x80, v3, vm0, $0xb8;
	[tilespmem:$0x14500] =	vst v63  }
0x110: {  	v3 =	vld [tilespmem:$0x80];
	_ =	sdelay $0x4  }
0x111: {  	v4 =	vshrl.u32 v3, $0x3  }
0x112: {  	v4 =	vmul.u32 $0x18, v4  }
0x113: {  	v3 =	vand.u32 $0x7, v3  }
0x114: {  	v3 =	vor.u32 v3, v4  }
0x115: {  	v4 =	vperm.xlane v3, v0;
	_ =	sdelay $0x1  }
0x116: {  	v3 =	vperm.xlane v3, v2;
	v4 =	vadd.s32 v1, v4;
	_ =	sdelay $0x1  }
0x117: {  	v3 =	vadd.s32 v1, v3;
	_ =	sdelay $0x1  }
0x118: {  	s20 =	simm.s32 $0xC500  }
0x119: {  	[tilespmem:s20], [sflag:$0x1] =	stream.indirect_vreg.gather [hbm4b:s8+s16], $0x80, v4, vm0, $0xb8;
	[tilespmem:$0x14500] =	vst v63  }
0x11a: {  	s18 =	simm.s32 $0xD100  }
0x11b: {  	[tilespmem:s18], [sflag:$0x1] =	stream.indirect_vreg.gather [hbm4b:s8+s16], $0x80, v3, vm0, $0xb8;
	[tilespmem:$0x14500] =	vst v63  }
0x11c: {  	v3 =	vld [tilespmem:$0x90];
	_ =	sdelay $0x4  }
0x11d: {  	v4 =	vshrl.u32 v3, $0x3  }
0x11e: {  	v4 =	vmul.u32 $0x18, v4  }
0x11f: {  	v3 =	vand.u32 $0x7, v3  }
0x120: {  	v3 =	vor.u32 v3, v4  }
0x121: {  	v4 =	vperm.xlane v3, v0;
	_ =	sdelay $0x1  }
0x122: {  	v3 =	vperm.xlane v3, v2;
	v4 =	vadd.s32 v1, v4;
	_ =	sdelay $0x1  }
0x123: {  	v3 =	vadd.s32 v1, v3;
	_ =	sdelay $0x1  }
0x124: {  	s19 =	simm.s32 $0xDD00  }
0x125: {  	[tilespmem:s19], [sflag:$0x1] =	stream.indirect_vreg.gather [hbm4b:s8+s16], $0x80, v4, vm0, $0xb8;
	[tilespmem:$0x14500] =	vst v63  }
0x126: {  	s20 =	simm.s32 $0xE900  }
0x127: {  	[tilespmem:s20], [sflag:$0x1] =	stream.indirect_vreg.gather [hbm4b:s8+s16], $0x80, v3, vm0, $0xb8;
	[tilespmem:$0x14500] =	vst v63  }
0x128: {  	v3 =	vld [tilespmem:$0xA0];
	_ =	sdelay $0x4  }
0x129: {  	v4 =	vshrl.u32 v3, $0x3  }
0x12a: {  	v4 =	vmul.u32 $0x18, v4  }
0x12b: {  	v3 =	vand.u32 $0x7, v3  }
0x12c: {  	v3 =	vor.u32 v3, v4  }
0x12d: {  	v4 =	vperm.xlane v3, v0;
	_ =	sdelay $0x1  }
0x12e: {  	v3 =	vperm.xlane v3, v2;
	v4 =	vadd.s32 v1, v4;
	_ =	sdelay $0x1  }
0x12f: {  	v3 =	vadd.s32 v1, v3;
	_ =	sdelay $0x1  }
0x130: {  	s18 =	simm.s32 $0xF500  }
0x131: {  	[tilespmem:s18], [sflag:$0x1] =	stream.indirect_vreg.gather [hbm4b:s8+s16], $0x80, v4, vm0, $0xb8;
	[tilespmem:$0x14500] =	vst v63  }
0x132: {  	s19 =	simm.s32 $0x10100  }
0x133: {  	[tilespmem:s19], [sflag:$0x1] =	stream.indirect_vreg.gather [hbm4b:s8+s16], $0x80, v3, vm0, $0xb8;
	[tilespmem:$0x14500] =	vst v63  }
0x134: {  	v3 =	vld [tilespmem:$0xB0];
	_ =	sdelay $0x4  }
0x135: {  	v4 =	vshrl.u32 v3, $0x3  }
0x136: {  	v4 =	vmul.u32 $0x18, v4  }
0x137: {  	v3 =	vand.u32 $0x7, v3  }
0x138: {  	v3 =	vor.u32 v3, v4  }
0x139: {  	v4 =	vperm.xlane v3, v0;
	_ =	sdelay $0x1  }
0x13a: {  	v3 =	vperm.xlane v3, v2;
	v4 =	vadd.s32 v1, v4;
	_ =	sdelay $0x1  }
0x13b: {  	v3 =	vadd.s32 v1, v3;
	_ =	sdelay $0x1  }
0x13c: {  	s20 =	simm.s32 $0x10D00  }
0x13d: {  	[tilespmem:s20], [sflag:$0x1] =	stream.indirect_vreg.gather [hbm4b:s8+s16], $0x80, v4, vm0, $0xb8;
	[tilespmem:$0x14500] =	vst v63  }
0x13e: {  	s18 =	simm.s32 $0x11900  }
0x13f: {  	[tilespmem:s18], [sflag:$0x1] =	stream.indirect_vreg.gather [hbm4b:s8+s16], $0x80, v3, vm0, $0xb8;
	[tilespmem:$0x14500] =	vst v63  }
0x140: {  	v3 =	vld.msk [tilespmem:$0xC0], $0xff;
	_ =	sdelay $0x4  }
0x141: {  	v4 =	vshrl.u32 v3, $0x3  }
0x142: {  	v4 =	vmul.u32 $0x18, v4  }
0x143: {  	v3 =	vand.u32 $0x7, v3  }
0x144: {  	v3 =	vor.u32 v3, v4  }
0x145: {  	v3 =	vperm.xlane v3, v0;
	_ =	sdelay $0x1  }
0x146: {  	v3 =	vadd.s32 v1, v3;
	_ =	sdelay $0x3  }
0x147: {  	s19 =	simm.s32 $0x12500  }
0x148: {  	[tilespmem:s19], [sflag:$0x1] =	stream.indirect_vreg.gather [hbm4b:s8+s16], $0x80, v3, vm0, $0xb8;
	[tilespmem:$0x14500] =	vst v63  }
0x149: {  	v3 =	vld [tilespmem:$0x0];
	_ =	sdelay $0x4  }
0x14a: {  	v4 =	vperm.xlane v3, v0;
	_ =	sdelay $0x1  }
0x14b: {  	v3 =	vperm.xlane v3, v2;
	v4 =	vadd.s32 v1, v4;
	_ =	sdelay $0x1  }
0x14c: {  	v3 =	vadd.s32 v1, v3;
	_ =	sdelay $0x1  }
0x14d: {  	s20 =	simm.s32 $0x900  }
0x14e: {  	[tilespmem:s20], [sflag:$0x1] =	stream.indirect_vreg.gather [hbm4b:s5+s16], $0x80, v4, vm0, $0xb8;
	[tilespmem:$0x14500] =	vst v63  }
0x14f: {  	s18 =	simm.s32 $0x1500  }
0x150: {  	[tilespmem:s18], [sflag:$0x1] =	stream.indirect_vreg.gather [hbm4b:s5+s16], $0x80, v3, vm0, $0xb8;
	[tilespmem:$0x14500] =	vst v63  }
0x151: {  	v3 =	vld [tilespmem:$0x10];
	_ =	sdelay $0x4  }
0x152: {  	v4 =	vperm.xlane v3, v0;
	_ =	sdelay $0x1  }
0x153: {  	v3 =	vperm.xlane v3, v2;
	v4 =	vadd.s32 v1, v4;
	_ =	sdelay $0x1  }
0x154: {  	v3 =	vadd.s32 v1, v3;
	_ =	sdelay $0x1  }
0x155: {  	s19 =	simm.s32 $0x2100  }
0x156: {  	[tilespmem:s19], [sflag:$0x1] =	stream.indirect_vreg.gather [hbm4b:s5+s16], $0x80, v4, vm0, $0xb8;
	[tilespmem:$0x14500] =	vst v63  }
0x157: {  	s20 =	simm.s32 $0x2D00  }
0x158: {  	[tilespmem:s20], [sflag:$0x1] =	stream.indirect_vreg.gather [hbm4b:s5+s16], $0x80, v3, vm0, $0xb8;
	[tilespmem:$0x14500] =	vst v63  }
0x159: {  	v3 =	vld [tilespmem:$0x20];
	_ =	sdelay $0x4  }
0x15a: {  	v4 =	vperm.xlane v3, v0;
	_ =	sdelay $0x1  }
0x15b: {  	v3 =	vperm.xlane v3, v2;
	v4 =	vadd.s32 v1, v4;
	_ =	sdelay $0x1  }
0x15c: {  	v3 =	vadd.s32 v1, v3;
	_ =	sdelay $0x1  }
0x15d: {  	s18 =	simm.s32 $0x3900  }
0x15e: {  	[tilespmem:s18], [sflag:$0x1] =	stream.indirect_vreg.gather [hbm4b:s5+s16], $0x80, v4, vm0, $0xb8;
	[tilespmem:$0x14500] =	vst v63  }
0x15f: {  	s19 =	simm.s32 $0x4500  }
0x160: {  	[tilespmem:s19], [sflag:$0x1] =	stream.indirect_vreg.gather [hbm4b:s5+s16], $0x80, v3, vm0, $0xb8;
	[tilespmem:$0x14500] =	vst v63  }
0x161: {  	v3 =	vld [tilespmem:$0x30];
	_ =	sdelay $0x4  }
0x162: {  	v4 =	vperm.xlane v3, v0;
	_ =	sdelay $0x1  }
0x163: {  	v3 =	vperm.xlane v3, v2;
	v4 =	vadd.s32 v1, v4;
	_ =	sdelay $0x1  }
0x164: {  	v3 =	vadd.s32 v1, v3;
	_ =	sdelay $0x1  }
0x165: {  	s20 =	simm.s32 $0x5100  }
0x166: {  	[tilespmem:s20], [sflag:$0x1] =	stream.indirect_vreg.gather [hbm4b:s5+s16], $0x80, v4, vm0, $0xb8;
	[tilespmem:$0x14500] =	vst v63  }
0x167: {  	s18 =	simm.s32 $0x5D00  }
0x168: {  	[tilespmem:s18], [sflag:$0x1] =	stream.indirect_vreg.gather [hbm4b:s5+s16], $0x80, v3, vm0, $0xb8;
	[tilespmem:$0x14500] =	vst v63  }
0x169: {  	v3 =	vld [tilespmem:$0x40];
	_ =	sdelay $0x4  }
0x16a: {  	v4 =	vperm.xlane v3, v0;
	_ =	sdelay $0x1  }
0x16b: {  	v3 =	vperm.xlane v3, v2;
	v4 =	vadd.s32 v1, v4;
	_ =	sdelay $0x1  }
0x16c: {  	v3 =	vadd.s32 v1, v3;
	_ =	sdelay $0x2  }
0x16d: {  	[tilespmem:s21], [sflag:$0x1] =	stream.indirect_vreg.gather [hbm4b:s5+s16], $0x80, v4, vm0, $0xb8;
	[tilespmem:$0x14500] =	vst v63  }
0x16e: {  	_ = 	snop  }
0x16f: {  	[tilespmem:s22], [sflag:$0x1] =	stream.indirect_vreg.gather [hbm4b:s5+s16], $0x80, v3, vm0, $0xb8;
	[tilespmem:$0x14500] =	vst v63  }
0x170: {  	v3 =	vld [tilespmem:$0x50];
	_ =	sdelay $0x4  }
0x171: {  	v4 =	vperm.xlane v3, v0;
	_ =	sdelay $0x1  }
0x172: {  	v3 =	vperm.xlane v3, v2;
	v4 =	vadd.s32 v1, v4;
	_ =	sdelay $0x1  }
0x173: {  	v3 =	vadd.s32 v1, v3;
	_ =	sdelay $0x2  }
0x174: {  	[tilespmem:s23], [sflag:$0x1] =	stream.indirect_vreg.gather [hbm4b:s5+s16], $0x80, v4, vm0, $0xb8;
	[tilespmem:$0x14500] =	vst v63  }
0x175: {  	_ = 	snop  }
0x176: {  	[tilespmem:s24], [sflag:$0x1] =	stream.indirect_vreg.gather [hbm4b:s5+s16], $0x80, v3, vm0, $0xb8;
	[tilespmem:$0x14500] =	vst v63  }
0x177: {  	v3 =	vld [tilespmem:$0x60];
	_ =	sdelay $0x4  }
0x178: {  	v4 =	vperm.xlane v3, v0;
	_ =	sdelay $0x1  }
0x179: {  	v3 =	vperm.xlane v3, v2;
	v4 =	vadd.s32 v1, v4;
	_ =	sdelay $0x1  }
0x17a: {  	v3 =	vadd.s32 v1, v3;
	_ =	sdelay $0x2  }
0x17b: {  	[tilespmem:s25], [sflag:$0x1] =	stream.indirect_vreg.gather [hbm4b:s5+s16], $0x80, v4, vm0, $0xb8;
	[tilespmem:$0x14500] =	vst v63  }
0x17c: {  	_ = 	snop  }
0x17d: {  	[tilespmem:s26], [sflag:$0x1] =	stream.indirect_vreg.gather [hbm4b:s5+s16], $0x80, v3, vm0, $0xb8;
	[tilespmem:$0x14500] =	vst v63  }
0x17e: {  	v3 =	vld [tilespmem:$0x70];
	_ =	sdelay $0x4  }
0x17f: {  	v4 =	vperm.xlane v3, v0;
	_ =	sdelay $0x1  }
0x180: {  	v3 =	vperm.xlane v3, v2;
	v4 =	vadd.s32 v1, v4;
	_ =	sdelay $0x1  }
0x181: {  	v3 =	vadd.s32 v1, v3;
	_ =	sdelay $0x2  }
0x182: {  	[tilespmem:s28], [sflag:$0x1] =	stream.indirect_vreg.gather [hbm4b:s5+s16], $0x80, v4, vm0, $0xb8;
	[tilespmem:$0x14500] =	vst v63  }
0x183: {  	_ = 	snop  }
0x184: {  	[tilespmem:s29], [sflag:$0x1] =	stream.indirect_vreg.gather [hbm4b:s5+s16], $0x80, v3, vm0, $0xb8;
	[tilespmem:$0x14500] =	vst v63  }
0x185: {  	v3 =	vld [tilespmem:$0x80];
	_ =	sdelay $0x4  }
0x186: {  	v4 =	vperm.xlane v3, v0;
	_ =	sdelay $0x1  }
0x187: {  	v3 =	vperm.xlane v3, v2;
	v4 =	vadd.s32 v1, v4;
	_ =	sdelay $0x1  }
0x188: {  	v3 =	vadd.s32 v1, v3;
	_ =	sdelay $0x2  }
0x189: {  	[tilespmem:s30], [sflag:$0x1] =	stream.indirect_vreg.gather [hbm4b:s5+s16], $0x80, v4, vm0, $0xb8;
	[tilespmem:$0x14500] =	vst v63  }
0x18a: {  	_ = 	snop  }
0x18b: {  	[tilespmem:s31], [sflag:$0x1] =	stream.indirect_vreg.gather [hbm4b:s5+s16], $0x80, v3, vm0, $0xb8;
	[tilespmem:$0x14500] =	vst v63  }
0x18c: {  	v3 =	vld [tilespmem:$0x90];
	_ =	sdelay $0x4  }
0x18d: {  	v4 =	vperm.xlane v3, v0;
	_ =	sdelay $0x1  }
0x18e: {  	v3 =	vperm.xlane v3, v2;
	v4 =	vadd.s32 v1, v4;
	_ =	sdelay $0x1  }
0x18f: {  	v3 =	vadd.s32 v1, v3;
	_ =	sdelay $0x2  }
0x190: {  	[tilespmem:s0], [sflag:$0x1] =	stream.indirect_vreg.gather [hbm4b:s5+s16], $0x80, v4, vm0, $0xb8;
	[tilespmem:$0x14500] =	vst v63  }
0x191: {  	_ = 	snop  }
0x192: {  	[tilespmem:s3], [sflag:$0x1] =	stream.indirect_vreg.gather [hbm4b:s5+s16], $0x80, v3, vm0, $0xb8;
	[tilespmem:$0x14500] =	vst v63  }
0x193: {  	v3 =	vld [tilespmem:$0xA0];
	_ =	sdelay $0x4  }
0x194: {  	v4 =	vperm.xlane v3, v0;
	_ =	sdelay $0x1  }
0x195: {  	v3 =	vperm.xlane v3, v2;
	v4 =	vadd.s32 v1, v4;
	_ =	sdelay $0x1  }
0x196: {  	v3 =	vadd.s32 v1, v3;
	_ =	sdelay $0x2  }
0x197: {  	[tilespmem:s9], [sflag:$0x1] =	stream.indirect_vreg.gather [hbm4b:s5+s16], $0x80, v4, vm0, $0xb8;
	[tilespmem:$0x14500] =	vst v63  }
0x198: {  	_ = 	snop  }
0x199: {  	[tilespmem:s2], [sflag:$0x1] =	stream.indirect_vreg.gather [hbm4b:s5+s16], $0x80, v3, vm0, $0xb8;
	[tilespmem:$0x14500] =	vst v63  }
0x19a: {  	v3 =	vld [tilespmem:$0xB0];
	_ =	sdelay $0x4  }
0x19b: {  	v4 =	vperm.xlane v3, v0;
	_ =	sdelay $0x1  }
0x19c: {  	v3 =	vperm.xlane v3, v2;
	v4 =	vadd.s32 v1, v4;
	_ =	sdelay $0x1  }
0x19d: {  	v3 =	vadd.s32 v1, v3;
	_ =	sdelay $0x2  }
0x19e: {  	[tilespmem:s1], [sflag:$0x1] =	stream.indirect_vreg.gather [hbm4b:s5+s16], $0x80, v4, vm0, $0xb8;
	[tilespmem:$0x14500] =	vst v63  }
0x19f: {  	_ = 	snop  }
0x1a0: {  	[tilespmem:s10], [sflag:$0x1] =	stream.indirect_vreg.gather [hbm4b:s5+s16], $0x80, v3, vm0, $0xb8;
	[tilespmem:$0x14500] =	vst v63  }
0x1a1: {  	v3 =	vld.msk [tilespmem:$0xC0], $0xff;
	_ =	sdelay $0x4  }
0x1a2: {  	v3 =	vperm.xlane v3, v0;
	_ =	sdelay $0x1  }
0x1a3: {  	v3 =	vadd.s32 v1, v3;
	_ =	sdelay $0x4  }
0x1a4: {  	[tilespmem:s11], [sflag:$0x1] =	stream.indirect_vreg.gather [hbm4b:s5+s16], $0x80, v3, vm0, $0xb8;
	[tilespmem:$0x14500] =	vst v63  }
0x1a5: {  	_ =	swait.ge [sflag:s13], $0x6400  }
0x1a6: {  	[sflag:s13] =	ssyncset.done $0x0  }
0x1a7: {  	[sflag:s13] =	ssyncadd.s32 $0xFFFF9C00  }
0x1a8: {  	_ =	swait.ge [sflag:s13], $0x6400  }
0x1a9: {  	s19 =	simm.s32 $0x0;
	[sflag:s13] =	ssyncset.done $0x0  }
0x1aa: {  	s17 =	smul.u32 $0x3000, s19;
	[sflag:s13] =	ssyncadd.s32 $0xFFFF9C00  }
0x1ab: {  	_ =	swait.ge [sflag:s13], $0x6400  }
0x1ac: {  	s17 =	sshra.s32 s17, $0x2;
	s20 =	sand.u32 $0x380, s16;
	[sflag:s13] =	ssyncset.done $0x0  }
0x1ad: {  	s17 =	sor.u32 s20, s17;
	[sflag:s13] =	ssyncadd.s32 $0xFFFF9C00  }
0x1ae: {  	v3 =	vld [tilespmem:s17+$0x920]  }
0x1af: {  	v4 =	vld [tilespmem:s17+$0x100]  }
0x1b0: {  	v5 =	vld [tilespmem:s17+$0x110]  }
0x1b1: {  	v7 =	vld [tilespmem:s17+$0x120]  }
0x1b2: {  	v8 =	vld [tilespmem:s17+$0x130]  }
0x1b3: {  	v9 =	vld [tilespmem:s17+$0x140]  }
0x1b4: {  	v10 =	vld [tilespmem:s17+$0x150]  }
0x1b5: {  	v11 =	vld [tilespmem:s17+$0x160]  }
0x1b6: {  	v6 =	vimm.f32 $0.0e+00;
	v12 =	vld [tilespmem:s17+$0x170]  }
0x1b7: {  	v13 =	vld [tilespmem:s17+$0x500];
	v3 =	vadd.f32 v3, v6  }
0x1b8: {  	v21 =	vadd.f32 v4, v6;
	v20 =	vadd.f32 v5, v6  }
0x1b9: {  	v19 =	vadd.f32 v7, v6;
	v18 =	vadd.f32 v8, v6  }
0x1ba: {  	v26 =	vld [tilespmem:s17+$0x510];
	v17 =	vadd.f32 v9, v6;
	v16 =	vadd.f32 v10, v6  }
0x1bb: {  	v25 =	vld [tilespmem:s17+$0x520];
	v15 =	vadd.f32 v11, v6;
	v14 =	vadd.f32 v12, v6  }
0x1bc: {  	v22 =	vld [tilespmem:s17+$0x530];
	v12 =	vadd.f32 v13, v6;
	v13 =	vimm.f32 $0.0e+00;
	v11 =	vimm.f32 $0.0e+00  }
0x1bd: {  	v23 =	vld [tilespmem:s17+$0x540];
	v10 =	vimm.f32 $0.0e+00;
	v9 =	vimm.f32 $0.0e+00;
	v8 =	vimm.f32 $0.0e+00  }
0x1be: {  	s19 =	simm.s32 $0x0;
	s18 =	simm.s32 $0x2;
	v24 =	vld [tilespmem:s17+$0x550];
	v7 =	vimm.f32 $0.0e+00;
	v5 =	vimm.f32 $0.0e+00;
	v4 =	vimm.f32 $0.0e+00  }
.LBB2_3:
0x1bf: {  	p0 =	sne.s32 s18, $0xC7;
	s19 =	smul.u32 $0x3000, s19;
	v6 =	vadd.f32 v26, v6;
	v26 =	vld [tilespmem:s17+$0x560]  }
0x1c0: {  	s16 =	sadd.s32 $0x80, s16;
	v13 =	vadd.f32 v25, v13;
	v25 =	vld [tilespmem:s17+$0x570]  }
0x1c1: {  	s20 =	sand.u32 $0x380, s16;
	s19 =	sshra.s32 s19, $0x2;
	v11 =	vadd.f32 v22, v11;
	v22 =	vld [tilespmem:s17+$0x900]  }
0x1c2: {  	v10 =	vadd.f32 v23, v10;
	v23 =	vld [tilespmem:s17+$0x910];
	s17 =	sor.u32 s20, s19  }
0x1c3: {  	v27 =	vld [tilespmem:s17+$0x920];
	v9 =	vadd.f32 v24, v9  }
0x1c4: {  	v24 =	vld [tilespmem:s17+$0x100];
	v8 =	vadd.f32 v26, v8  }
0x1c5: {  	v26 =	vld [tilespmem:s17+$0x110];
	v7 =	vadd.f32 v25, v7  }
0x1c6: {  	v25 =	vld [tilespmem:s17+$0x120];
	v5 =	vadd.f32 v22, v5  }
0x1c7: {  	v22 =	vld [tilespmem:s17+$0x130];
	v4 =	vadd.f32 v23, v4  }
0x1c8: {  	v23 =	vld [tilespmem:s17+$0x140];
	v3 =	vadd.f32 v27, v3  }
0x1c9: {  	v21 =	vadd.f32 v24, v21;
	v24 =	vld [tilespmem:s17+$0x150]  }
0x1ca: {  	v20 =	vadd.f32 v26, v20;
	v27 =	vld [tilespmem:s17+$0x160]  }
0x1cb: {  	v19 =	vadd.f32 v25, v19;
	v28 =	vld [tilespmem:s17+$0x170]  }
0x1cc: {  	v18 =	vadd.f32 v22, v18;
	v29 =	vld [tilespmem:s17+$0x500]  }
.Ltmp0:
0x1cd: {  	v17 =	vadd.f32 v23, v17;
	v26 =	vld [tilespmem:s17+$0x510];
	(pc) =	sbr.rel @p0 .LBB2_3-.Ltmp0, $4  }
0x1ce: {  	v16 =	vadd.f32 v24, v16;
	v25 =	vld [tilespmem:s17+$0x520]  }
0x1cf: {  	v15 =	vadd.f32 v27, v15;
	v22 =	vld [tilespmem:s17+$0x530]  }
0x1d0: {  	v14 =	vadd.f32 v28, v14;
	v23 =	vld [tilespmem:s17+$0x540]  }
0x1d1: {  	s19 =	sshrl.u32 s18, $0x3;
	s18 =	sadd.s32 $0x1, s18;
	v12 =	vadd.f32 v29, v12;
	v24 =	vld [tilespmem:s17+$0x550]  }
0x1d2: {  	s18 =	smul.u32 $0x3000, s19;
	v27 =	vld [tilespmem:s17+$0x560]  }
0x1d3: {  	v28 =	vld [tilespmem:s17+$0x570];
	s16 =	sadd.s32 $0x80, s16  }
0x1d4: {  	v29 =	vld [tilespmem:s17+$0x900];
	s16 =	sand.u32 $0x380, s16;
	s18 =	sshra.s32 s18, $0x2  }
0x1d5: {  	v30 =	vld [tilespmem:s17+$0x910];
	s18 =	sor.u32 s16, s18  }
0x1d6: {  	v31 =	vld [tilespmem:s18+$0x920]  }
0x1d7: {  	v32 =	vld [tilespmem:s18+$0x100]  }
0x1d8: {  	v33 =	vld [tilespmem:s18+$0x110]  }
0x1d9: {  	v34 =	vld [tilespmem:s18+$0x120]  }
0x1da: {  	v35 =	vld [tilespmem:s18+$0x130]  }
0x1db: {  	v36 =	vld [tilespmem:s18+$0x140]  }
0x1dc: {  	v37 =	vld [tilespmem:s18+$0x150]  }
0x1dd: {  	v38 =	vld [tilespmem:s18+$0x160]  }
0x1de: {  	v39 =	vld [tilespmem:s18+$0x170]  }
0x1df: {  	v40 =	vld [tilespmem:s18+$0x500]  }
0x1e0: {  	v41 =	vld [tilespmem:s18+$0x510]  }
0x1e1: {  	v42 =	vld [tilespmem:s18+$0x520]  }
0x1e2: {  	s16 =	sand.u32 $0xF, s14;
	v43 =	vld [tilespmem:s18+$0x530]  }
0x1e3: {  	v44 =	vld [tilespmem:s18+$0x540];
	s19 =	sshrl.u32 s16, $0x3  }
0x1e4: {  	v45 =	vld [tilespmem:s18+$0x550];
	s17 =	smul.u32 $0x3000, s19;
	v21 =	vadd.f32 v32, v21  }
0x1e5: {  	s20 =	sshll.u32 s14, $0x7;
	v57 =	vld [tilespmem:s18+$0x560];
	v17 =	vadd.f32 v36, v17  }
0x1e6: {  	v58 =	vld [tilespmem:s18+$0x570];
	s19 =	sand.u32 $0x380, s20;
	s17 =	sshrl.u32 s17, $0x2;
	v16 =	vadd.f32 v37, v16;
	v21 =	vmul.f32 $4.999999890e-03, v21  }
0x1e7: {  	v59 =	vld [tilespmem:s18+$0x900];
	s17 =	sor.u32 s19, s17;
	v15 =	vadd.f32 v38, v15;
	v17 =	vmul.f32 $4.999999890e-03, v17  }
0x1e8: {  	v46 =	vld [tilespmem:s18+$0x910];
	s20 =	sadd.s32 $0x12D00, s17;
	v14 =	vadd.f32 v39, v14;
	v16 =	vmul.f32 $4.999999890e-03, v16;
	[tilespmem:s17+$0x12D00] =	vst v21  }
0x1e9: {  	v20 =	vadd.f32 v33, v20;
	v15 =	vmul.f32 $4.999999890e-03, v15;
	[tilespmem:s20+$0x40] =	vst v17  }
0x1ea: {  	v19 =	vadd.f32 v34, v19;
	v14 =	vmul.f32 $4.999999890e-03, v14;
	[tilespmem:s20+$0x50] =	vst v16  }
0x1eb: {  	v10 =	vadd.f32 v23, v10;
	v18 =	vadd.f32 v35, v18;
	v20 =	vmul.f32 $4.999999890e-03, v20;
	[tilespmem:s20+$0x60] =	vst v15  }
0x1ec: {  	v9 =	vadd.f32 v24, v9;
	v12 =	vadd.f32 v40, v12;
	v19 =	vmul.f32 $4.999999890e-03, v19;
	[tilespmem:s20+$0x70] =	vst v14  }
0x1ed: {  	v8 =	vadd.f32 v27, v8;
	v10 =	vadd.f32 v44, v10;
	v18 =	vmul.f32 $4.999999890e-03, v18;
	[tilespmem:s20+$0x10] =	vst v20  }
0x1ee: {  	v7 =	vadd.f32 v28, v7;
	v9 =	vadd.f32 v45, v9;
	v12 =	vmul.f32 $4.999999890e-03, v12;
	[tilespmem:s20+$0x20] =	vst v19  }
0x1ef: {  	v6 =	vadd.f32 v26, v6;
	v8 =	vadd.f32 v57, v8;
	v10 =	vmul.f32 $4.999999890e-03, v10;
	[tilespmem:s20+$0x30] =	vst v18  }
0x1f0: {  	v13 =	vadd.f32 v25, v13;
	s19 =	sadd.s32 $0x13100, s17;
	v7 =	vadd.f32 v58, v7;
	v62 =	vmul.f32 $4.999999890e-03, v9;
	[tilespmem:s17+$0x13100] =	vst v12  }
0x1f1: {  	v11 =	vadd.f32 v22, v11;
	v6 =	vadd.f32 v41, v6;
	v8 =	vmul.f32 $4.999999890e-03, v8;
	[tilespmem:s19+$0x40] =	vst v10  }
0x1f2: {  	v5 =	vadd.f32 v29, v5;
	v13 =	vadd.f32 v42, v13;
	v63 =	vmul.f32 $4.999999890e-03, v7;
	[tilespmem:s19+$0x50] =	vst v62  }
0x1f3: {  	v4 =	vadd.f32 v30, v4;
	v11 =	vadd.f32 v43, v11;
	v6 =	vmul.f32 $4.999999890e-03, v6;
	[tilespmem:s19+$0x60] =	vst v8  }
0x1f4: {  	v5 =	vadd.f32 v59, v5;
	v60 =	vmul.f32 $4.999999890e-03, v13;
	[tilespmem:s19+$0x70] =	vst v63  }
0x1f5: {  	p0 =	sne.s32 s16, $0xF;
	v4 =	vadd.f32 v46, v4;
	v61 =	vmul.f32 $4.999999890e-03, v11;
	[tilespmem:s19+$0x10] =	vst v6  }
0x1f6: {  	s15 =	sadd.s32 @!p0 $0xFFFFFFF1, s15;
	v3 =	vadd.f32 v31, v3;
	v5 =	vmul.f32 $4.999999890e-03, v5;
	[tilespmem:s19+$0x20] =	vst v60  }
0x1f7: {  	s15 =	sshrl.u32 @!p0 s15, $0x3;
	v4 =	vmul.f32 $4.999999890e-03, v4;
	[tilespmem:s19+$0x30] =	vst v61  }
0x1f8: {  	s14 =	sadd.s32 $0x1, s14;
	s15 =	smul.u32 @!p0 $0x180, s15;
	v3 =	vmul.f32 $4.999999890e-03, v3;
	s20 =	sadd.s32 $0x13500, s17;
	[tilespmem:s17+$0x13500] =	vst v5  }
0x1f9: {  	p1 =	sne.s32 s14, $0x80;
	[tilespmem:s20+$0x10] =	vst v4  }
0x1fa: {  	s16 =	simm.s32 @!p0 $0x0;
	s15 =	sadd.s32 @!p0 s6, s15;
	s17 =	simm.s32 @!p0 $0x12D00;
	[tilespmem:s20+$0x20] =	vst v3  }
0x1fb: {  	[hbm4b:s15+s16] =	stream.linear.scatter @!p0 [tilespmem:s17], [sflag:$0x2], $0x1800, $0x38;
	[tilespmem:$0x14500] =	vst v63  }
.Ltmp1:
0x1fc: {  	_ = 	snop;
	(pc) =	sbr.rel @p1 .LBB2_2-.Ltmp1, $4  }
0x1fd: {  	s15 =	simm.s32 @!p0 $0x2  }
0x1fe: {  	_ =	swait.ge @!p0 [sflag:s15], $0x1800  }
0x1ff: {  	[sflag:s15] =	ssyncset.done @!p0 $0x0  }
0x200: {  	[sflag:s15] =	ssyncadd.s32 @!p0 $0xFFFFE800  }
0x201: {  	s14 =	rddreg [dreg:$0x3]  }
0x202: {  	s15 =	rddreg [dreg:$0x4];
	s14 =	sadd.s32 $0x1, s14  }
0x203: {  	p0 =	sne.s32 s14, s15  }
.Ltmp2:
0x204: {  	_ = 	snop;
	(pc) =	sbr.rel @p0 .LBB2_1-.Ltmp2, $1  }
0x205: {  	_ =	sdelay $0x3  }
0x206: {  	_ =	sfence.sel $0x180000  }
0x207: {  	[bflag:$0x0] =	sbarrier.arrive $0xFFFF  }
0x208: {  	_ =	strace $0x90000047  }
0x209: {  	s0 =	stileid.u32;
	[bflag:$0x2] =	sbarrier.arrive $0xFFFF  }
0x20a: {  	p0 =	sne.s32 s0, $0x0;
	s0 =	rddreg [dreg:$0x2]  }
0x20b: {  	s0 =	sadd.s32 @!p0 $0x100000, s0  }
0x20c: {  	[sflag:s0] =	ssyncadd.tile.s32 @!p0 $0x1;
	_ =	shalt  }
.Lfunc_end2:
_tile_overlayer_lowered:
.L_overlay_start_2:
0x20d: {  	(tag) =	ssettag $0x2  }
0x20e: {  	s0 =	rddreg [dreg:$0x0];
	s2 =	stileid.u32  }
0x20f: {  	s1 =	rddreg [dreg:$0x1];
	p0 =	sne.s32 s2, $0x0  }
0x210: {  	s3 =	rddreg [dreg:$0x2];
	[bflag:$0x3] =	sbarrier.arrive $0xFFFF;
	s2 =	simm.s32 @!p0 $0x1C02  }
0x211: {  	[timem:s3], [sflag:s2] =	dma.local @!p0 [hbm:s0], s1  }
0x212: {  	s0 =	simm.s32 @!p0 $0x2  }
0x213: {  	_ =	swait.ge @!p0 [sflag:s0], s1  }
0x214: {  	s1 =	ssub.s32 @!p0 $0x0, s1;
	[sflag:s0] =	ssyncset.done @!p0 $0x0  }
0x215: {  	[sflag:s0] =	ssyncadd.s32 @!p0 s1  }
0x216: {  	[bflag:$0x3] =	sbarrier.arrive $0xFFFF  }
0x217: {  	_ =	shalt  }

</sc_bundles>
